<compile_context>
chip_gen: v7x
topology: tpu7x:2x2x1
jax: 0.10.2.dev20260603
libtpu: 0.0.44.dev20260713+nightly
codegen_flags: <defaults>
</compile_context>

<pallas_src>
import jax
import jax.numpy as jnp
from jax import lax
from jax.experimental import pallas as pl
from jax.experimental.pallas import tpu as pltpu
from jax.experimental.pallas import tpu_sc as plsc

_N = 20000
_G = 50
_ROWS = 160
_LANES = 128
_NPAD = _ROWS * _LANES

_POS_UPPER = 128
_NEG_THR = 0.3
_POS_THR = 0.5

_W = 16
_CHUNK = _NPAD // _W
_VPW = _CHUNK // 16


def _tc_stage(a_ref, s_ref, r_ref, gts_ref, p_ref, n_ref, ts_ref, ta_ref,
              rg_ref, tn_ref, gti_ref, iou_s, cm_s, pm_s):
    f32 = jnp.float32
    a1 = a_ref[0]
    a2 = a_ref[1]
    a3 = a_ref[2]
    a4 = a_ref[3]
    area_a = (a3 - a1) * (a4 - a2)

    row_i = lax.broadcasted_iota(jnp.int32, (_ROWS, _LANES), 0)
    col_i = lax.broadcasted_iota(jnp.int32, (_ROWS, _LANES), 1)
    idx = row_i * _LANES + col_i
    idxf = idx.astype(f32)
    valid = idx < _N

    neg_one = jnp.full((_ROWS, _LANES), -1.0, f32)
    zeros = jnp.zeros((_ROWS, _LANES), f32)

    def body1(g, carry):
        run_max, mx1, my1, mx2, my2 = carry
        gx1 = gts_ref[g, 0]
        gy1 = gts_ref[g, 1]
        gx2 = gts_ref[g, 2]
        gy2 = gts_ref[g, 3]
        garea = (gx2 - gx1) * (gy2 - gy1)
        w = jnp.maximum(jnp.minimum(a3, gx2) - jnp.maximum(a1, gx1), 0.0)
        h = jnp.maximum(jnp.minimum(a4, gy2) - jnp.maximum(a2, gy1), 0.0)
        inter = w * h
        union = area_a + garea - inter
        iou = jnp.where(valid, inter / union, -1.0)
        iou_s[g] = iou
        cm_s[g] = jnp.max(iou, axis=0, keepdims=True)
        better = iou > run_max
        run_max = jnp.where(better, iou, run_max)
        mx1 = jnp.where(better, gx1, mx1)
        my1 = jnp.where(better, gy1, my1)
        mx2 = jnp.where(better, gx2, mx2)
        my2 = jnp.where(better, gy2, my2)
        return run_max, mx1, my1, mx2, my2

    init = (neg_one, zeros, zeros, zeros + 1.0, zeros + 1.0)
    run_max, mx1, my1, mx2, my2 = lax.fori_loop(0, _G, body1, init,
                                                unroll=5)

    cm = cm_s[...]
    colmax = jnp.max(cm, axis=2, keepdims=True)
    cm_s[...] = jnp.broadcast_to(colmax, (_G, 1, _LANES))

    def body2(g, carry):
        iou_g = iou_s[g]
        cmax_b = jnp.broadcast_to(cm_s[g], (_ROWS, _LANES))
        cand = jnp.where(iou_g == cmax_b, idxf, 3e7)
        pm_s[g] = jnp.min(cand, axis=0, keepdims=True)
        return carry

    lax.fori_loop(0, _G, body2, 0, unroll=5)
    pmv = pm_s[...]
    gidxv = jnp.broadcast_to(
        jnp.min(pmv, axis=2, keepdims=True), (_G, 1, _LANES)
    ).reshape(_G, _LANES)
    diag = (lax.broadcasted_iota(jnp.int32, (_G, _LANES), 0)
            == lax.broadcasted_iota(jnp.int32, (_G, _LANES), 1))
    gr = jnp.sum(jnp.where(diag, gidxv, 0.0), axis=0, keepdims=True)
    li = lax.broadcasted_iota(jnp.int32, (1, _LANES), 1)
    gti_ref[0:1, :] = jnp.where(li < _G, gr, -1.0)

    pos_cand = jnp.logical_and(valid, run_max > _POS_THR).astype(f32)
    neg_cand = jnp.logical_and(valid, run_max < _NEG_THR).astype(f32)

    s0 = s_ref[0]
    s1 = s_ref[1]
    sm = jnp.maximum(s0, s1)
    lse = sm + jnp.log(jnp.exp(s0 - sm) + jnp.exp(s1 - sm))
    logp0_score = s0 - lse
    logp1_score = s1 - lse
    am = jnp.maximum(jnp.maximum(a1, a2), jnp.maximum(a3, a4))
    alse = am + jnp.log(jnp.exp(a1 - am) + jnp.exp(a2 - am)
                        + jnp.exp(a3 - am) + jnp.exp(a4 - am))
    logp0_anch = a1 - alse

    aw = a3 - a1
    ah = a4 - a2
    acx = a1 + aw * 0.5
    acy = a2 + ah * 0.5
    gw = mx2 - mx1
    gh = my2 - my1
    gcx = mx1 + gw * 0.5
    gcy = my1 + gh * 0.5
    tx = (gcx - acx) / aw
    ty = (gcy - acy) / ah
    tw = jnp.log(gw / aw)
    th = jnp.log(gh / ah)

    def sl1(pred, tgt):
        d = pred - tgt
        ad = jnp.abs(d)
        return jnp.where(ad < 1.0, 0.5 * d * d, ad - 0.5)

    reg_sum = (sl1(r_ref[0], tx) + sl1(r_ref[1], ty)
               + sl1(r_ref[2], tw) + sl1(r_ref[3], th))

    p_ref[...] = pos_cand
    n_ref[...] = neg_cand
    ts_ref[...] = logp0_score
    ta_ref[...] = logp0_anch
    rg_ref[...] = reg_sum
    tn_ref[...] = logp1_score


def _sc_stage(pos_hbm, neg_hbm, ts_hbm, ta_hbm, rg_hbm, tn_hbm, gti_hbm,
              out_hbm, posr, negr, tsr, tar, rgr, tnr,
              gti, stg, outv, ov2, shared, dsem):
    f32 = jnp.float32
    w = lax.axis_index("s")
    base = w * _CHUNK
    srcs = (pos_hbm, neg_hbm, ts_hbm, ta_hbm, rg_hbm, tn_hbm)
    bufs = (posr, negr, tsr, tar, rgr, tnr)
    copies = [pltpu.async_copy(srcs[j].at[pl.ds(base, _CHUNK)], bufs[j],
                               dsem)
              for j in range(6)]
    copies.append(pltpu.async_copy(gti_hbm.at[pl.ds(0, 64)], gti, dsem))
    for c in copies:
        c.wait()

    lane = lax.iota(jnp.int32, 16)
    ones16 = jnp.ones((16,), f32)
    zeros16 = jnp.zeros((16,), f32)

    for v in range(4):
        gv = gti[pl.ds(v * 16, 16)].astype(jnp.int32)
        lv = gv - base
        m = jnp.logical_and(lv >= 0, lv < _CHUNK)
        lv = jnp.where(m, lv, 0)
        plsc.store_scatter(posr, [lv], ones16, mask=m)
        plsc.store_scatter(negr, [lv], zeros16, mask=m)

    @plsc.parallel_loop(0, _CHUNK, step=16, unroll=8,
                        carry=(zeros16, zeros16))
    def _counts(i, carry):
        accp, accq = carry
        return (accp + posr[pl.ds(i, 16)], accq + negr[pl.ds(i, 16)])

    accp, accq = _counts
    cp = jnp.sum(accp)
    cq = jnp.sum(accq)

    rowv = jnp.where(lane == 0, cp, jnp.where(lane == 1, cq, 0.0))
    ov2[pl.ds(0, 16)] = rowv
    pltpu.sync_copy(ov2, shared.at[w])
    plsc.subcore_barrier()
    pltpu.sync_copy(shared, stg)

    acc = zeros16
    myoff = zeros16
    for wp in range(_W):
        myoff = jnp.where(w == wp, acc, myoff)
        acc = acc + stg[wp, pl.ds(0, 16)]
    p_full = jnp.sum(jnp.where(lane == 0, acc, 0.0))
    q_full = jnp.sum(jnp.where(lane == 1, acc, 0.0))
    offp = jnp.sum(jnp.where(lane == 0, myoff, 0.0))
    offq = jnp.sum(jnp.where(lane == 1, myoff, 0.0))

    k_pos = jnp.minimum(p_full, float(_POS_UPPER))
    score_bug = p_full >= float(_POS_UPPER)
    neg_bound = jnp.where(p_full < float(_POS_UPPER), p_full,
                          float(_POS_UPPER))
    q_eff = jnp.minimum(neg_bound, q_full)

    @plsc.parallel_loop(0, _CHUNK, step=16, unroll=4,
                        carry=(offp, offq, zeros16, zeros16, zeros16))
    def _select(i, carry):
        rp, rq, asp, asr, asn = carry
        pv = posr[pl.ds(i, 16)]
        nv = negr[pl.ds(i, 16)]
        ts = tsr[pl.ds(i, 16)]
        ta = tar[pl.ds(i, 16)]
        rg = rgr[pl.ds(i, 16)]
        tn = tnr[pl.ds(i, 16)]
        rankp = plsc.cumsum(pv) + rp
        selp = jnp.logical_and(pv > 0.0, rankp <= k_pos)
        term = jnp.where(score_bug, ta, ts)
        asp = asp + jnp.where(selp, term, 0.0)
        asr = asr + jnp.where(selp, rg, 0.0)
        rankq = plsc.cumsum(nv) + rq
        selq = jnp.logical_and(nv > 0.0, rankq <= q_eff)
        asn = asn + jnp.where(selq, tn, 0.0)
        return (rp + jnp.sum(pv), rq + jnp.sum(nv), asp, asr, asn)

    _, _, asp, asr, asn = _select
    sp = jnp.sum(asp)
    sr = jnp.sum(asr)
    sn = jnp.sum(asn)

    rowv = jnp.where(lane == 0, sp,
                     jnp.where(lane == 1, sr,
                               jnp.where(lane == 2, sn, 0.0)))
    ov2[pl.ds(0, 16)] = rowv
    pltpu.sync_copy(ov2, shared.at[w])
    plsc.subcore_barrier()

    @pl.when(w == 0)
    def _():
        pltpu.sync_copy(shared, stg)
        tot = jnp.zeros((16,), f32)
        for wp in range(_W):
            tot = tot + stg[wp, pl.ds(0, 16)]
        sp_t = jnp.sum(jnp.where(lane == 0, tot, 0.0))
        sr_t = jnp.sum(jnp.where(lane == 1, tot, 0.0))
        sn_t = jnp.sum(jnp.where(lane == 2, tot, 0.0))
        ones = jnp.ones((16,), f32)
        loss_v = ((ones * sr_t - ones * sp_t) / (ones * k_pos)
                  - (ones * sn_t) / (ones * q_eff))
        outv[...] = loss_v
        pltpu.sync_copy(outv, out_hbm)


@jax.jit
def kernel(score_pred, reg_pred, anchors, gts):
    pad = _NPAD - _N
    a_t = jnp.pad(anchors.T, ((0, 0), (0, pad)))
    a_t = a_t.at[2:, _N:].set(1.0)
    s_t = jnp.pad(score_pred.T, ((0, 0), (0, pad)))
    r_t = jnp.pad(reg_pred.T, ((0, 0), (0, pad)))
    a3 = a_t.reshape(4, _ROWS, _LANES)
    s3 = s_t.reshape(2, _ROWS, _LANES)
    r3 = r_t.reshape(4, _ROWS, _LANES)

    tc_outs = pl.pallas_call(
        _tc_stage,
        out_shape=[jax.ShapeDtypeStruct((_ROWS, _LANES), jnp.float32)
                   for _ in range(6)]
        + [jax.ShapeDtypeStruct((8, _LANES), jnp.float32)],
        in_specs=[
            pl.BlockSpec(memory_space=pltpu.VMEM),
            pl.BlockSpec(memory_space=pltpu.VMEM),
            pl.BlockSpec(memory_space=pltpu.VMEM),
            pl.BlockSpec(memory_space=pltpu.SMEM),
        ],
        out_specs=[pl.BlockSpec(memory_space=pltpu.VMEM)
                   for _ in range(7)],
        scratch_shapes=[
            pltpu.VMEM((_G, _ROWS, _LANES), jnp.float32),
            pltpu.VMEM((_G, 1, _LANES), jnp.float32),
            pltpu.VMEM((_G, 1, _LANES), jnp.float32),
        ],
    )(a3, s3, r3, gts)
    flats = [t.reshape(-1) for t in tc_outs]

    mesh = plsc.VectorSubcoreMesh(
        core_axis_name="c", subcore_axis_name="s", num_cores=1,
        num_subcores=_W)
    out = pl.kernel(
        _sc_stage,
        out_type=jax.ShapeDtypeStruct((16,), jnp.float32),
        mesh=mesh,
        compiler_params=pltpu.CompilerParams(needs_layout_passes=False),
        scratch_types=[
            pltpu.VMEM((_CHUNK,), jnp.float32),
            pltpu.VMEM((_CHUNK,), jnp.float32),
            pltpu.VMEM((_CHUNK,), jnp.float32),
            pltpu.VMEM((_CHUNK,), jnp.float32),
            pltpu.VMEM((_CHUNK,), jnp.float32),
            pltpu.VMEM((_CHUNK,), jnp.float32),
            pltpu.VMEM((64,), jnp.float32),
            pltpu.VMEM((_W, 128), jnp.float32),
            pltpu.VMEM((16,), jnp.float32),
            pltpu.VMEM((128,), jnp.float32),
            pltpu.VMEM_SHARED((_W, 128), jnp.float32),
            pltpu.SemaphoreType.DMA,
        ],
    )(flats[0], flats[1], flats[2], flats[3], flats[4], flats[5], flats[6])
    return out[0]

# --- scband reference (transcript-rebuilt; emitter-appended) ---
"""Pipeline reference for scband-anchor-target-layer-60404420051304 (READ-ONLY COPY).

The authoritative reference and input builder live on the scoring server;
editing this copy changes nothing except your own understanding.
"""

import jax, jax.numpy as jnp
import numpy as np


def _iou_compute(anchors, gts):
    area_a = (anchors[:, 2] - anchors[:, 0]) * (anchors[:, 3] - anchors[:, 1])
    area_g = (gts[:, 2] - gts[:, 0]) * (gts[:, 3] - gts[:, 1])
    lt = jnp.maximum(anchors[:, None, :2], gts[None, :, :2])
    rb = jnp.minimum(anchors[:, None, 2:], gts[None, :, 2:])
    wh = jnp.clip(rb - lt, 0.0, None)
    inter = wh[..., 0] * wh[..., 1]
    union = area_a[:, None] + area_g[None, :] - inter
    return inter / union


def setup_inputs(seed: int = 0):
    key = jax.random.key(seed)
    k1, k2, k3, k4, k5, k6 = jax.random.split(key, 6)
    N, G = 20000, 50
    ctr = jax.random.uniform(k1, (N, 2), dtype=jnp.float32) * 1000.0
    wh = jax.random.uniform(k2, (N, 2), dtype=jnp.float32) * 100.0 + 10.0
    anchors = jnp.concatenate([ctr - wh / 2.0, ctr + wh / 2.0], axis=1)
    gctr = jax.random.uniform(k3, (G, 2), dtype=jnp.float32) * 1000.0
    gwh = jax.random.uniform(k4, (G, 2), dtype=jnp.float32) * 100.0 + 10.0
    gts = jnp.concatenate([gctr - gwh / 2.0, gctr + gwh / 2.0], axis=1)
    score_pred = jax.random.normal(k5, (N, 2), dtype=jnp.float32)
    reg_pred = jax.random.normal(k6, (N, 4), dtype=jnp.float32)
    return {"score_pred": score_pred, "reg_pred": reg_pred, "anchors": anchors, "gts": gts}


def reference(score_pred, reg_pred, anchors, gts):
    sample_max_num, neg_thr, pos_thr, np_rate = 256, 0.3, 0.5, 0.5
    N = anchors.shape[0]
    iou = _iou_compute(anchors, gts)
    anchor_max = jnp.max(iou, axis=1)
    anchor_max_indices = jnp.argmax(iou, axis=1)
    gt_max_indices = jnp.argmax(iou, axis=0)
    pos_mask = (anchor_max > pos_thr).at[gt_max_indices].set(True)
    pos_idx = jnp.nonzero(pos_mask, size=N, fill_value=0)[0]
    P_full = jnp.sum(pos_mask).astype(jnp.int32)
    pos_upper = int(sample_max_num * np_rate)
    neg_bound_static = int(sample_max_num * (1.0 - np_rate))
    score_bug = P_full >= pos_upper
    P_eff = jnp.minimum(P_full, pos_upper)
    neg_bound = jnp.where(
        P_full < pos_upper,
        (P_full.astype(jnp.float32) / np_rate * (1.0 - np_rate)).astype(jnp.int32),
        jnp.int32(neg_bound_static),
    )
    rank = jnp.arange(N)
    pos_valid = rank < P_eff
    positive_anchors = anchors[pos_idx]
    positive_pred_reg = reg_pred[pos_idx]
    positive_mapper = anchor_max_indices[pos_idx]
    neg_mask = (anchor_max < neg_thr).at[gt_max_indices].set(False)
    neg_idx = jnp.nonzero(neg_mask, size=N, fill_value=0)[0]
    Q_full = jnp.sum(neg_mask).astype(jnp.int32)
    Q_eff = jnp.minimum(neg_bound, Q_full)
    neg_valid = rank < Q_eff
    negative_pred_score = score_pred[neg_idx]
    # positive classification loss: cross entropy, target class 0
    logp_score = jax.nn.log_softmax(score_pred[pos_idx], axis=1)[:, 0]
    logp_anch = jax.nn.log_softmax(positive_anchors, axis=1)[:, 0]
    logp0 = jnp.where(score_bug, logp_anch, logp_score)
    Pf = P_eff.astype(jnp.float32)
    pos_cls_loss = -jnp.sum(jnp.where(pos_valid, logp0, 0.0)) / Pf
    # regression loss: vectorized single_encoder + smooth_l1(sum per box), averaged over P
    matched = gts[positive_mapper]
    aw = positive_anchors[:, 2] - positive_anchors[:, 0]
    ah = positive_anchors[:, 3] - positive_anchors[:, 1]
    a_cx = positive_anchors[:, 0] + aw / 2.0
    a_cy = positive_anchors[:, 1] + ah / 2.0
    gw = matched[:, 2] - matched[:, 0]
    gh = matched[:, 3] - matched[:, 1]
    g_cx = matched[:, 0] + gw / 2.0
    g_cy = matched[:, 1] + gh / 2.0
    dx = (g_cx - a_cx) / aw
    dy = (g_cy - a_cy) / ah
    dw = jnp.log(gw / aw)
    dh = jnp.log(gh / ah)
    targets = jnp.stack([dx, dy, dw, dh], axis=1)
    diff = positive_pred_reg - targets
    ad = jnp.abs(diff)
    sl1 = jnp.where(ad < 1.0, 0.5 * diff * diff, ad - 0.5)
    sl1 = jnp.where(pos_valid[:, None], sl1, 0.0)
    pos_reg_loss = jnp.sum(sl1) / Pf
    # negative classification loss: cross entropy, target class 1
    logn = jax.nn.log_softmax(negative_pred_score, axis=1)[:, 1]
    neg_cls_loss = -jnp.sum(jnp.where(neg_valid, logn, 0.0)) / Q_eff.astype(jnp.float32)
    return pos_cls_loss + pos_reg_loss + neg_cls_loss

if __name__ == "__main__":
    import jax
    _d = setup_inputs()
    print(jax.jit(kernel)(*tuple(_d.values())))

</pallas_src>

<mosaic_0001>
#map = affine_map<(d0, d1) -> (0)>
module attributes {stable_mosaic.version = 14 : i64} {
  func.func @_sc_stage(%arg0: i32, %arg1: i32, %arg2: memref<20480xf32, #tpu.memory_space<hbm>>, %arg3: memref<20480xf32, #tpu.memory_space<hbm>>, %arg4: memref<20480xf32, #tpu.memory_space<hbm>>, %arg5: memref<20480xf32, #tpu.memory_space<hbm>>, %arg6: memref<20480xf32, #tpu.memory_space<hbm>>, %arg7: memref<20480xf32, #tpu.memory_space<hbm>>, %arg8: memref<1024xf32, #tpu.memory_space<hbm>>, %arg9: memref<16xf32, #tpu.memory_space<hbm>>, %arg10: memref<1280xf32, #tpu.memory_space<vmem>>, %arg11: memref<1280xf32, #tpu.memory_space<vmem>>, %arg12: memref<1280xf32, #tpu.memory_space<vmem>>, %arg13: memref<1280xf32, #tpu.memory_space<vmem>>, %arg14: memref<1280xf32, #tpu.memory_space<vmem>>, %arg15: memref<1280xf32, #tpu.memory_space<vmem>>, %arg16: memref<64xf32, #tpu.memory_space<vmem>>, %arg17: memref<16x128xf32, #tpu.memory_space<vmem>>, %arg18: memref<16xf32, #tpu.memory_space<vmem>>, %arg19: memref<128xf32, #tpu.memory_space<vmem>>, %arg20: memref<16x128xf32, #tpu.memory_space<vmem_shared>>, %arg21: memref<!tpu.dma_semaphore, #tpu.memory_space<semaphore_mem>>) attributes {dimension_semantics = [#tpu.dimension_semantics<core_parallel>, #tpu.dimension_semantics<subcore_parallel>], iteration_bounds = array<i64: 1, 16>, scalar_prefetch = 0 : i64, scratch_operands = 12 : i64, tpu.core_type = #tpu.core_type<sc_vector_subcore>, window_params = [{transform_indices = #map}, {transform_indices = #map}, {transform_indices = #map}, {transform_indices = #map}, {transform_indices = #map}, {transform_indices = #map}, {transform_indices = #map}, {transform_indices = #map}]} {
    %mul3A = arith.constant 1280 : i32
    %mul3A_0 = arith.muli %arg1, %mul3A : i32
    %dma_start3A = tpu.memref_slice %arg2[%mul3A_0] : memref<20480xf32, #tpu.memory_space<hbm>> -> memref<1280xf32, #tpu.memory_space<hbm>>
    %dma_start3A_1 = tpu.memref_slice %arg2[%mul3A_0] : memref<20480xf32, #tpu.memory_space<hbm>> -> memref<1280xf32, #tpu.memory_space<hbm>>
    tpu.enqueue_dma source(%dma_start3A_1 : memref<1280xf32, #tpu.memory_space<hbm>>) target(%arg10 : memref<1280xf32, #tpu.memory_space<vmem>>) target_semaphore(%arg21 : memref<!tpu.dma_semaphore, #tpu.memory_space<semaphore_mem>>)
    %dma_start3A_2 = tpu.memref_slice %arg3[%mul3A_0] : memref<20480xf32, #tpu.memory_space<hbm>> -> memref<1280xf32, #tpu.memory_space<hbm>>
    %dma_start3A_3 = tpu.memref_slice %arg3[%mul3A_0] : memref<20480xf32, #tpu.memory_space<hbm>> -> memref<1280xf32, #tpu.memory_space<hbm>>
    tpu.enqueue_dma source(%dma_start3A_3 : memref<1280xf32, #tpu.memory_space<hbm>>) target(%arg11 : memref<1280xf32, #tpu.memory_space<vmem>>) target_semaphore(%arg21 : memref<!tpu.dma_semaphore, #tpu.memory_space<semaphore_mem>>)
    %dma_start3A_4 = tpu.memref_slice %arg4[%mul3A_0] : memref<20480xf32, #tpu.memory_space<hbm>> -> memref<1280xf32, #tpu.memory_space<hbm>>
    %dma_start3A_5 = tpu.memref_slice %arg4[%mul3A_0] : memref<20480xf32, #tpu.memory_space<hbm>> -> memref<1280xf32, #tpu.memory_space<hbm>>
    tpu.enqueue_dma source(%dma_start3A_5 : memref<1280xf32, #tpu.memory_space<hbm>>) target(%arg12 : memref<1280xf32, #tpu.memory_space<vmem>>) target_semaphore(%arg21 : memref<!tpu.dma_semaphore, #tpu.memory_space<semaphore_mem>>)
    %dma_start3A_6 = tpu.memref_slice %arg5[%mul3A_0] : memref<20480xf32, #tpu.memory_space<hbm>> -> memref<1280xf32, #tpu.memory_space<hbm>>
    %dma_start3A_7 = tpu.memref_slice %arg5[%mul3A_0] : memref<20480xf32, #tpu.memory_space<hbm>> -> memref<1280xf32, #tpu.memory_space<hbm>>
    tpu.enqueue_dma source(%dma_start3A_7 : memref<1280xf32, #tpu.memory_space<hbm>>) target(%arg13 : memref<1280xf32, #tpu.memory_space<vmem>>) target_semaphore(%arg21 : memref<!tpu.dma_semaphore, #tpu.memory_space<semaphore_mem>>)
    %dma_start3A_8 = tpu.memref_slice %arg6[%mul3A_0] : memref<20480xf32, #tpu.memory_space<hbm>> -> memref<1280xf32, #tpu.memory_space<hbm>>
    %dma_start3A_9 = tpu.memref_slice %arg6[%mul3A_0] : memref<20480xf32, #tpu.memory_space<hbm>> -> memref<1280xf32, #tpu.memory_space<hbm>>
    tpu.enqueue_dma source(%dma_start3A_9 : memref<1280xf32, #tpu.memory_space<hbm>>) target(%arg14 : memref<1280xf32, #tpu.memory_space<vmem>>) target_semaphore(%arg21 : memref<!tpu.dma_semaphore, #tpu.memory_space<semaphore_mem>>)
    %dma_start3A_10 = tpu.memref_slice %arg7[%mul3A_0] : memref<20480xf32, #tpu.memory_space<hbm>> -> memref<1280xf32, #tpu.memory_space<hbm>>
    %dma_start3A_11 = tpu.memref_slice %arg7[%mul3A_0] : memref<20480xf32, #tpu.memory_space<hbm>> -> memref<1280xf32, #tpu.memory_space<hbm>>
    tpu.enqueue_dma source(%dma_start3A_11 : memref<1280xf32, #tpu.memory_space<hbm>>) target(%arg15 : memref<1280xf32, #tpu.memory_space<vmem>>) target_semaphore(%arg21 : memref<!tpu.dma_semaphore, #tpu.memory_space<semaphore_mem>>)
    %dma_start3A_12 = arith.constant 0 : i32
    %dma_start3A_13 = tpu.memref_slice %arg8[%dma_start3A_12] : memref<1024xf32, #tpu.memory_space<hbm>> -> memref<64xf32, #tpu.memory_space<hbm>>
    %dma_start3A_14 = arith.constant 0 : i32
    %dma_start3A_15 = tpu.memref_slice %arg8[%dma_start3A_14] : memref<1024xf32, #tpu.memory_space<hbm>> -> memref<64xf32, #tpu.memory_space<hbm>>
    tpu.enqueue_dma source(%dma_start3A_15 : memref<64xf32, #tpu.memory_space<hbm>>) target(%arg16 : memref<64xf32, #tpu.memory_space<vmem>>) target_semaphore(%arg21 : memref<!tpu.dma_semaphore, #tpu.memory_space<semaphore_mem>>)
    %dma_wait3A = tpu.memref_slice %arg2[%mul3A_0] : memref<20480xf32, #tpu.memory_space<hbm>> -> memref<1280xf32, #tpu.memory_space<hbm>>
    %dma_wait3A_16 = tpu.memref_slice %arg2[%mul3A_0] : memref<20480xf32, #tpu.memory_space<hbm>> -> memref<1280xf32, #tpu.memory_space<hbm>>
    tpu.wait_dma2 semaphore(%arg21 : memref<!tpu.dma_semaphore, #tpu.memory_space<semaphore_mem>>) src(%dma_wait3A_16 : memref<1280xf32, #tpu.memory_space<hbm>>) dst(%arg10 : memref<1280xf32, #tpu.memory_space<vmem>>)
    %dma_wait3A_17 = tpu.memref_slice %arg3[%mul3A_0] : memref<20480xf32, #tpu.memory_space<hbm>> -> memref<1280xf32, #tpu.memory_space<hbm>>
    %dma_wait3A_18 = tpu.memref_slice %arg3[%mul3A_0] : memref<20480xf32, #tpu.memory_space<hbm>> -> memref<1280xf32, #tpu.memory_space<hbm>>
    tpu.wait_dma2 semaphore(%arg21 : memref<!tpu.dma_semaphore, #tpu.memory_space<semaphore_mem>>) src(%dma_wait3A_18 : memref<1280xf32, #tpu.memory_space<hbm>>) dst(%arg11 : memref<1280xf32, #tpu.memory_space<vmem>>)
    %dma_wait3A_19 = tpu.memref_slice %arg4[%mul3A_0] : memref<20480xf32, #tpu.memory_space<hbm>> -> memref<1280xf32, #tpu.memory_space<hbm>>
    %dma_wait3A_20 = tpu.memref_slice %arg4[%mul3A_0] : memref<20480xf32, #tpu.memory_space<hbm>> -> memref<1280xf32, #tpu.memory_space<hbm>>
    tpu.wait_dma2 semaphore(%arg21 : memref<!tpu.dma_semaphore, #tpu.memory_space<semaphore_mem>>) src(%dma_wait3A_20 : memref<1280xf32, #tpu.memory_space<hbm>>) dst(%arg12 : memref<1280xf32, #tpu.memory_space<vmem>>)
    %dma_wait3A_21 = tpu.memref_slice %arg5[%mul3A_0] : memref<20480xf32, #tpu.memory_space<hbm>> -> memref<1280xf32, #tpu.memory_space<hbm>>
    %dma_wait3A_22 = tpu.memref_slice %arg5[%mul3A_0] : memref<20480xf32, #tpu.memory_space<hbm>> -> memref<1280xf32, #tpu.memory_space<hbm>>
    tpu.wait_dma2 semaphore(%arg21 : memref<!tpu.dma_semaphore, #tpu.memory_space<semaphore_mem>>) src(%dma_wait3A_22 : memref<1280xf32, #tpu.memory_space<hbm>>) dst(%arg13 : memref<1280xf32, #tpu.memory_space<vmem>>)
    %dma_wait3A_23 = tpu.memref_slice %arg6[%mul3A_0] : memref<20480xf32, #tpu.memory_space<hbm>> -> memref<1280xf32, #tpu.memory_space<hbm>>
    %dma_wait3A_24 = tpu.memref_slice %arg6[%mul3A_0] : memref<20480xf32, #tpu.memory_space<hbm>> -> memref<1280xf32, #tpu.memory_space<hbm>>
    tpu.wait_dma2 semaphore(%arg21 : memref<!tpu.dma_semaphore, #tpu.memory_space<semaphore_mem>>) src(%dma_wait3A_24 : memref<1280xf32, #tpu.memory_space<hbm>>) dst(%arg14 : memref<1280xf32, #tpu.memory_space<vmem>>)
    %dma_wait3A_25 = tpu.memref_slice %arg7[%mul3A_0] : memref<20480xf32, #tpu.memory_space<hbm>> -> memref<1280xf32, #tpu.memory_space<hbm>>
    %dma_wait3A_26 = tpu.memref_slice %arg7[%mul3A_0] : memref<20480xf32, #tpu.memory_space<hbm>> -> memref<1280xf32, #tpu.memory_space<hbm>>
    tpu.wait_dma2 semaphore(%arg21 : memref<!tpu.dma_semaphore, #tpu.memory_space<semaphore_mem>>) src(%dma_wait3A_26 : memref<1280xf32, #tpu.memory_space<hbm>>) dst(%arg15 : memref<1280xf32, #tpu.memory_space<vmem>>)
    %dma_wait3A_27 = arith.constant 0 : i32
    %dma_wait3A_28 = tpu.memref_slice %arg8[%dma_wait3A_27] : memref<1024xf32, #tpu.memory_space<hbm>> -> memref<64xf32, #tpu.memory_space<hbm>>
    %dma_wait3A_29 = arith.constant 0 : i32
    %dma_wait3A_30 = tpu.memref_slice %arg8[%dma_wait3A_29] : memref<1024xf32, #tpu.memory_space<hbm>> -> memref<64xf32, #tpu.memory_space<hbm>>
    tpu.wait_dma2 semaphore(%arg21 : memref<!tpu.dma_semaphore, #tpu.memory_space<semaphore_mem>>) src(%dma_wait3A_30 : memref<64xf32, #tpu.memory_space<hbm>>) dst(%arg16 : memref<64xf32, #tpu.memory_space<vmem>>)
    %iota3A = tpu.iota {dimensions = array<i32: 0>} : vector<16xi32>
    %broadcast_in_dim3A = arith.constant 1.000000e+00 : f32
    %broadcast_in_dim3A_31 = vector.broadcast %broadcast_in_dim3A : f32 to vector<16xf32>
    %broadcast_in_dim3A_32 = arith.constant 0.000000e+00 : f32
    %broadcast_in_dim3A_33 = vector.broadcast %broadcast_in_dim3A_32 : f32 to vector<16xf32>
    %get3A = arith.constant 0 : index
    %get3A_34 = tpu.vector_load %arg16[%get3A] {strides = array<i32>} : memref<64xf32, #tpu.memory_space<vmem>>, vector<16xf32>,
    %convert_element_type3A = arith.fptosi %get3A_34 : vector<16xf32> to vector<16xi32>
    %sub3A = vector.broadcast %mul3A_0 : i32 to vector<16xi32>
    %sub3A_35 = arith.subi %convert_element_type3A, %sub3A : vector<16xi32>
    %ge3A = arith.constant 0 : i32
    %ge3A_36 = vector.broadcast %ge3A : i32 to vector<16xi32>
    %ge3A_37 = arith.cmpi sge, %sub3A_35, %ge3A_36 : vector<16xi32>
    %lt3A = arith.constant 1280 : i32
    %lt3A_38 = vector.broadcast %lt3A : i32 to vector<16xi32>
    %lt3A_39 = arith.cmpi slt, %sub3A_35, %lt3A_38 : vector<16xi32>
    %and3A = arith.andi %ge3A_37, %lt3A_39 : vector<16xi1>
    %jit3A = arith.constant 0 : i32
    %broadcast_in_dim3A_40 = vector.broadcast %jit3A : i32 to vector<16xi32>
    %select_n3A = arith.select %and3A, %sub3A_35, %broadcast_in_dim3A_40 : vector<16xi1>, vector<16xi32>
    tpu.vector_store_idx %arg10[%select_n3A], %broadcast_in_dim3A_31 masked %and3A : memref<1280xf32, #tpu.memory_space<vmem>>[vector<16xi32>], vector<16xf32>, vector<16xi1>
    tpu.vector_store_idx %arg11[%select_n3A], %broadcast_in_dim3A_33 masked %and3A : memref<1280xf32, #tpu.memory_space<vmem>>[vector<16xi32>], vector<16xf32>, vector<16xi1>
    %get3A_41 = arith.constant 16 : index
    %get3A_42 = tpu.vector_load %arg16[%get3A_41] {strides = array<i32>} : memref<64xf32, #tpu.memory_space<vmem>>, vector<16xf32>,
    %convert_element_type3A_43 = arith.fptosi %get3A_42 : vector<16xf32> to vector<16xi32>
    %sub3A_44 = vector.broadcast %mul3A_0 : i32 to vector<16xi32>
    %sub3A_45 = arith.subi %convert_element_type3A_43, %sub3A_44 : vector<16xi32>
    %ge3A_46 = arith.constant 0 : i32
    %ge3A_47 = vector.broadcast %ge3A_46 : i32 to vector<16xi32>
    %ge3A_48 = arith.cmpi sge, %sub3A_45, %ge3A_47 : vector<16xi32>
    %lt3A_49 = arith.constant 1280 : i32
    %lt3A_50 = vector.broadcast %lt3A_49 : i32 to vector<16xi32>
    %lt3A_51 = arith.cmpi slt, %sub3A_45, %lt3A_50 : vector<16xi32>
    %and3A_52 = arith.andi %ge3A_48, %lt3A_51 : vector<16xi1>
    %jit3A_53 = arith.constant 0 : i32
    %broadcast_in_dim3A_54 = vector.broadcast %jit3A_53 : i32 to vector<16xi32>
    %select_n3A_55 = arith.select %and3A_52, %sub3A_45, %broadcast_in_dim3A_54 : vector<16xi1>, vector<16xi32>
    tpu.vector_store_idx %arg10[%select_n3A_55], %broadcast_in_dim3A_31 masked %and3A_52 : memref<1280xf32, #tpu.memory_space<vmem>>[vector<16xi32>], vector<16xf32>, vector<16xi1>
    tpu.vector_store_idx %arg11[%select_n3A_55], %broadcast_in_dim3A_33 masked %and3A_52 : memref<1280xf32, #tpu.memory_space<vmem>>[vector<16xi32>], vector<16xf32>, vector<16xi1>
    %get3A_56 = arith.constant 32 : index
    %get3A_57 = tpu.vector_load %arg16[%get3A_56] {strides = array<i32>} : memref<64xf32, #tpu.memory_space<vmem>>, vector<16xf32>,
    %convert_element_type3A_58 = arith.fptosi %get3A_57 : vector<16xf32> to vector<16xi32>
    %sub3A_59 = vector.broadcast %mul3A_0 : i32 to vector<16xi32>
    %sub3A_60 = arith.subi %convert_element_type3A_58, %sub3A_59 : vector<16xi32>
    %ge3A_61 = arith.constant 0 : i32
    %ge3A_62 = vector.broadcast %ge3A_61 : i32 to vector<16xi32>
    %ge3A_63 = arith.cmpi sge, %sub3A_60, %ge3A_62 : vector<16xi32>
    %lt3A_64 = arith.constant 1280 : i32
    %lt3A_65 = vector.broadcast %lt3A_64 : i32 to vector<16xi32>
    %lt3A_66 = arith.cmpi slt, %sub3A_60, %lt3A_65 : vector<16xi32>
    %and3A_67 = arith.andi %ge3A_63, %lt3A_66 : vector<16xi1>
    %jit3A_68 = arith.constant 0 : i32
    %broadcast_in_dim3A_69 = vector.broadcast %jit3A_68 : i32 to vector<16xi32>
    %select_n3A_70 = arith.select %and3A_67, %sub3A_60, %broadcast_in_dim3A_69 : vector<16xi1>, vector<16xi32>
    tpu.vector_store_idx %arg10[%select_n3A_70], %broadcast_in_dim3A_31 masked %and3A_67 : memref<1280xf32, #tpu.memory_space<vmem>>[vector<16xi32>], vector<16xf32>, vector<16xi1>
    tpu.vector_store_idx %arg11[%select_n3A_70], %broadcast_in_dim3A_33 masked %and3A_67 : memref<1280xf32, #tpu.memory_space<vmem>>[vector<16xi32>], vector<16xf32>, vector<16xi1>
    %get3A_71 = arith.constant 48 : index
    %get3A_72 = tpu.vector_load %arg16[%get3A_71] {strides = array<i32>} : memref<64xf32, #tpu.memory_space<vmem>>, vector<16xf32>,
    %convert_element_type3A_73 = arith.fptosi %get3A_72 : vector<16xf32> to vector<16xi32>
    %sub3A_74 = vector.broadcast %mul3A_0 : i32 to vector<16xi32>
    %sub3A_75 = arith.subi %convert_element_type3A_73, %sub3A_74 : vector<16xi32>
    %ge3A_76 = arith.constant 0 : i32
    %ge3A_77 = vector.broadcast %ge3A_76 : i32 to vector<16xi32>
    %ge3A_78 = arith.cmpi sge, %sub3A_75, %ge3A_77 : vector<16xi32>
    %lt3A_79 = arith.constant 1280 : i32
    %lt3A_80 = vector.broadcast %lt3A_79 : i32 to vector<16xi32>
    %lt3A_81 = arith.cmpi slt, %sub3A_75, %lt3A_80 : vector<16xi32>
    %and3A_82 = arith.andi %ge3A_78, %lt3A_81 : vector<16xi1>
    %jit3A_83 = arith.constant 0 : i32
    %broadcast_in_dim3A_84 = vector.broadcast %jit3A_83 : i32 to vector<16xi32>
    %select_n3A_85 = arith.select %and3A_82, %sub3A_75, %broadcast_in_dim3A_84 : vector<16xi1>, vector<16xi32>
    tpu.vector_store_idx %arg10[%select_n3A_85], %broadcast_in_dim3A_31 masked %and3A_82 : memref<1280xf32, #tpu.memory_space<vmem>>[vector<16xi32>], vector<16xf32>, vector<16xi1>
    tpu.vector_store_idx %arg11[%select_n3A_85], %broadcast_in_dim3A_33 masked %and3A_82 : memref<1280xf32, #tpu.memory_space<vmem>>[vector<16xi32>], vector<16xf32>, vector<16xi1>
    %parallel_loop3A = arith.constant 0 : i32
    %parallel_loop3A_86 = arith.constant 1280 : i32
    %parallel_loop3A_87 = arith.constant 16 : i32
    %parallel_loop3A_88:2 = scf.for %parallel_loop3A_323 = %parallel_loop3A to %parallel_loop3A_86 step %parallel_loop3A_87 iter_args(%parallel_loop3A_324 = %broadcast_in_dim3A_33, %parallel_loop3A_325 = %broadcast_in_dim3A_33) -> (vector<16xf32>, vector<16xf32>)  : i32 {
      %parallel_loop3A_326 = arith.index_cast %parallel_loop3A_323 : i32 to index
      %parallel_loop3A_327 = tpu.vector_load %arg10[%parallel_loop3A_326] {strides = array<i32>} : memref<1280xf32, #tpu.memory_space<vmem>>, vector<16xf32>,
      %parallel_loop3A_328 = arith.addf %parallel_loop3A_324, %parallel_loop3A_327 : vector<16xf32>
      %parallel_loop3A_329 = arith.index_cast %parallel_loop3A_323 : i32 to index
      %parallel_loop3A_330 = tpu.vector_load %arg11[%parallel_loop3A_329] {strides = array<i32>} : memref<1280xf32, #tpu.memory_space<vmem>>, vector<16xf32>,
      %parallel_loop3A_331 = arith.addf %parallel_loop3A_325, %parallel_loop3A_330 : vector<16xf32>
      scf.yield %parallel_loop3A_328, %parallel_loop3A_331 : vector<16xf32>, vector<16xf32>
    } {sc.loop_unroll_factor = 8 : i64, sc.parallel_access}
    %reduce_sum3A = arith.constant true
    %reduce_sum3A_89 = vector.broadcast %reduce_sum3A : i1 to vector<16xi1>
    %reduce_sum3A_90 = tpu.scan <sum>, %parallel_loop3A_88#0 masked %reduce_sum3A_89 : vector<16xf32>, vector<16xi1> -> vector<16xf32>
    %reduce_sum3A_91 = vector.extract %reduce_sum3A_90[15] : f32 from vector<16xf32>
    %reduce_sum3A_92 = arith.constant true
    %reduce_sum3A_93 = vector.broadcast %reduce_sum3A_92 : i1 to vector<16xi1>
    %reduce_sum3A_94 = tpu.scan <sum>, %parallel_loop3A_88#1 masked %reduce_sum3A_93 : vector<16xf32>, vector<16xi1> -> vector<16xf32>
    %reduce_sum3A_95 = vector.extract %reduce_sum3A_94[15] : f32 from vector<16xf32>
    %eq3A = arith.constant 0 : i32
    %eq3A_96 = vector.broadcast %eq3A : i32 to vector<16xi32>
    %eq3A_97 = arith.cmpi eq, %iota3A, %eq3A_96 : vector<16xi32>
    %eq3A_98 = arith.constant 1 : i32
    %eq3A_99 = vector.broadcast %eq3A_98 : i32 to vector<16xi32>
    %eq3A_100 = arith.cmpi eq, %iota3A, %eq3A_99 : vector<16xi32>
    %jit3A_101 = arith.constant 0.000000e+00 : f32
    %broadcast_in_dim3A_102 = vector.broadcast %reduce_sum3A_95 : f32 to vector<16xf32>
    %broadcast_in_dim3A_103 = vector.broadcast %jit3A_101 : f32 to vector<16xf32>
    %select_n3A_104 = arith.select %eq3A_100, %broadcast_in_dim3A_102, %broadcast_in_dim3A_103 : vector<16xi1>, vector<16xf32>
    %broadcast_in_dim3A_105 = vector.broadcast %reduce_sum3A_91 : f32 to vector<16xf32>
    %select_n3A_106 = arith.select %eq3A_97, %broadcast_in_dim3A_105, %select_n3A_104 : vector<16xi1>, vector<16xf32>
    %swap3A = arith.constant 0 : index
    %swap3A_107 = tpu.vector_load %arg19[%swap3A] {strides = array<i32>} : memref<128xf32, #tpu.memory_space<vmem>>, vector<16xf32>,
    tpu.vector_store %arg19[%swap3A], %select_n3A_106 {strides = array<i32>} : memref<128xf32, #tpu.memory_space<vmem>>, vector<16xf32>,
    "tpu.region"() ({
      %run_scoped3A = tpu.sem_alloc : memref<!tpu.dma_semaphore, #tpu.memory_space<semaphore_mem>>
      %dma_start3A_323 = arith.constant 0 : i32
      %dma_start3A_324 = tpu.memref_slice %arg20[%arg1, %dma_start3A_323] : memref<16x128xf32, #tpu.memory_space<vmem_shared>> -> memref<1x128xf32, #tpu.memory_space<vmem_shared>>
      %dma_start3A_325 = tpu.memref_squeeze %dma_start3A_324 : memref<1x128xf32, #tpu.memory_space<vmem_shared>> -> memref<128xf32, #tpu.memory_space<vmem_shared>>
      %dma_start3A_326 = arith.constant 0 : i32
      %dma_start3A_327 = tpu.memref_slice %arg20[%arg1, %dma_start3A_326] : memref<16x128xf32, #tpu.memory_space<vmem_shared>> -> memref<1x128xf32, #tpu.memory_space<vmem_shared>>
      %dma_start3A_328 = tpu.memref_squeeze %dma_start3A_327 : memref<1x128xf32, #tpu.memory_space<vmem_shared>> -> memref<128xf32, #tpu.memory_space<vmem_shared>>
      tpu.enqueue_dma source(%arg19 : memref<128xf32, #tpu.memory_space<vmem>>) target(%dma_start3A_328 : memref<128xf32, #tpu.memory_space<vmem_shared>>) target_semaphore(%run_scoped3A : memref<!tpu.dma_semaphore, #tpu.memory_space<semaphore_mem>>)
      %dma_wait3A_329 = arith.constant 0 : i32
      %dma_wait3A_330 = tpu.memref_slice %arg20[%arg1, %dma_wait3A_329] : memref<16x128xf32, #tpu.memory_space<vmem_shared>> -> memref<1x128xf32, #tpu.memory_space<vmem_shared>>
      %dma_wait3A_331 = tpu.memref_squeeze %dma_wait3A_330 : memref<1x128xf32, #tpu.memory_space<vmem_shared>> -> memref<128xf32, #tpu.memory_space<vmem_shared>>
      %dma_wait3A_332 = arith.constant 0 : i32
      %dma_wait3A_333 = tpu.memref_slice %arg20[%arg1, %dma_wait3A_332] : memref<16x128xf32, #tpu.memory_space<vmem_shared>> -> memref<1x128xf32, #tpu.memory_space<vmem_shared>>
      %dma_wait3A_334 = tpu.memref_squeeze %dma_wait3A_333 : memref<1x128xf32, #tpu.memory_space<vmem_shared>> -> memref<128xf32, #tpu.memory_space<vmem_shared>>
      tpu.wait_dma2 semaphore(%run_scoped3A : memref<!tpu.dma_semaphore, #tpu.memory_space<semaphore_mem>>) src(%arg19 : memref<128xf32, #tpu.memory_space<vmem>>) dst(%dma_wait3A_334 : memref<128xf32, #tpu.memory_space<vmem_shared>>)
      tpu.yield
    }) : () -> ()
    %barrier3A = arith.constant 0 : index
    tpu.barrier barrier_id(%barrier3A)
    "tpu.region"() ({
      %run_scoped3A = tpu.sem_alloc : memref<!tpu.dma_semaphore, #tpu.memory_space<semaphore_mem>>
      tpu.enqueue_dma source(%arg20 : memref<16x128xf32, #tpu.memory_space<vmem_shared>>) target(%arg17 : memref<16x128xf32, #tpu.memory_space<vmem>>) target_semaphore(%run_scoped3A : memref<!tpu.dma_semaphore, #tpu.memory_space<semaphore_mem>>)
      tpu.wait_dma2 semaphore(%run_scoped3A : memref<!tpu.dma_semaphore, #tpu.memory_space<semaphore_mem>>) src(%arg20 : memref<16x128xf32, #tpu.memory_space<vmem_shared>>) dst(%arg17 : memref<16x128xf32, #tpu.memory_space<vmem>>)
      tpu.yield
    }) : () -> ()
    %eq3A_108 = arith.constant 0 : i32
    %eq3A_109 = arith.cmpi eq, %arg1, %eq3A_108 : i32
    %select_n3A_110 = arith.select %eq3A_109, %broadcast_in_dim3A_33, %broadcast_in_dim3A_33 : vector<16xf32>
    %get3A_111 = arith.constant 0 : i32
    %get3A_112 = arith.index_cast %get3A_111 : i32 to index
    %get3A_113 = arith.constant 0 : index
    %get3A_114 = tpu.vector_load %arg17[%get3A_112, %get3A_113] {strides = array<i32>} : memref<16x128xf32, #tpu.memory_space<vmem>>, vector<16xf32>,
    %add3A = arith.addf %broadcast_in_dim3A_33, %get3A_114 : vector<16xf32>
    %eq3A_115 = arith.constant 1 : i32
    %eq3A_116 = arith.cmpi eq, %arg1, %eq3A_115 : i32
    %select_n3A_117 = arith.select %eq3A_116, %add3A, %select_n3A_110 : vector<16xf32>
    %get3A_118 = arith.constant 1 : i32
    %get3A_119 = arith.index_cast %get3A_118 : i32 to index
    %get3A_120 = arith.constant 0 : index
    %get3A_121 = tpu.vector_load %arg17[%get3A_119, %get3A_120] {strides = array<i32>} : memref<16x128xf32, #tpu.memory_space<vmem>>, vector<16xf32>,
    %add3A_122 = arith.addf %add3A, %get3A_121 : vector<16xf32>
    %eq3A_123 = arith.constant 2 : i32
    %eq3A_124 = arith.cmpi eq, %arg1, %eq3A_123 : i32
    %select_n3A_125 = arith.select %eq3A_124, %add3A_122, %select_n3A_117 : vector<16xf32>
    %get3A_126 = arith.constant 2 : i32
    %get3A_127 = arith.index_cast %get3A_126 : i32 to index
    %get3A_128 = arith.constant 0 : index
    %get3A_129 = tpu.vector_load %arg17[%get3A_127, %get3A_128] {strides = array<i32>} : memref<16x128xf32, #tpu.memory_space<vmem>>, vector<16xf32>,
    %add3A_130 = arith.addf %add3A_122, %get3A_129 : vector<16xf32>
    %eq3A_131 = arith.constant 3 : i32
    %eq3A_132 = arith.cmpi eq, %arg1, %eq3A_131 : i32
    %select_n3A_133 = arith.select %eq3A_132, %add3A_130, %select_n3A_125 : vector<16xf32>
    %get3A_134 = arith.constant 3 : i32
    %get3A_135 = arith.index_cast %get3A_134 : i32 to index
    %get3A_136 = arith.constant 0 : index
    %get3A_137 = tpu.vector_load %arg17[%get3A_135, %get3A_136] {strides = array<i32>} : memref<16x128xf32, #tpu.memory_space<vmem>>, vector<16xf32>,
    %add3A_138 = arith.addf %add3A_130, %get3A_137 : vector<16xf32>
    %eq3A_139 = arith.constant 4 : i32
    %eq3A_140 = arith.cmpi eq, %arg1, %eq3A_139 : i32
    %select_n3A_141 = arith.select %eq3A_140, %add3A_138, %select_n3A_133 : vector<16xf32>
    %get3A_142 = arith.constant 4 : i32
    %get3A_143 = arith.index_cast %get3A_142 : i32 to index
    %get3A_144 = arith.constant 0 : index
    %get3A_145 = tpu.vector_load %arg17[%get3A_143, %get3A_144] {strides = array<i32>} : memref<16x128xf32, #tpu.memory_space<vmem>>, vector<16xf32>,
    %add3A_146 = arith.addf %add3A_138, %get3A_145 : vector<16xf32>
    %eq3A_147 = arith.constant 5 : i32
    %eq3A_148 = arith.cmpi eq, %arg1, %eq3A_147 : i32
    %select_n3A_149 = arith.select %eq3A_148, %add3A_146, %select_n3A_141 : vector<16xf32>
    %get3A_150 = arith.constant 5 : i32
    %get3A_151 = arith.index_cast %get3A_150 : i32 to index
    %get3A_152 = arith.constant 0 : index
    %get3A_153 = tpu.vector_load %arg17[%get3A_151, %get3A_152] {strides = array<i32>} : memref<16x128xf32, #tpu.memory_space<vmem>>, vector<16xf32>,
    %add3A_154 = arith.addf %add3A_146, %get3A_153 : vector<16xf32>
    %eq3A_155 = arith.constant 6 : i32
    %eq3A_156 = arith.cmpi eq, %arg1, %eq3A_155 : i32
    %select_n3A_157 = arith.select %eq3A_156, %add3A_154, %select_n3A_149 : vector<16xf32>
    %get3A_158 = arith.constant 6 : i32
    %get3A_159 = arith.index_cast %get3A_158 : i32 to index
    %get3A_160 = arith.constant 0 : index
    %get3A_161 = tpu.vector_load %arg17[%get3A_159, %get3A_160] {strides = array<i32>} : memref<16x128xf32, #tpu.memory_space<vmem>>, vector<16xf32>,
    %add3A_162 = arith.addf %add3A_154, %get3A_161 : vector<16xf32>
    %eq3A_163 = arith.constant 7 : i32
    %eq3A_164 = arith.cmpi eq, %arg1, %eq3A_163 : i32
    %select_n3A_165 = arith.select %eq3A_164, %add3A_162, %select_n3A_157 : vector<16xf32>
    %get3A_166 = arith.constant 7 : i32
    %get3A_167 = arith.index_cast %get3A_166 : i32 to index
    %get3A_168 = arith.constant 0 : index
    %get3A_169 = tpu.vector_load %arg17[%get3A_167, %get3A_168] {strides = array<i32>} : memref<16x128xf32, #tpu.memory_space<vmem>>, vector<16xf32>,
    %add3A_170 = arith.addf %add3A_162, %get3A_169 : vector<16xf32>
    %eq3A_171 = arith.constant 8 : i32
    %eq3A_172 = arith.cmpi eq, %arg1, %eq3A_171 : i32
    %select_n3A_173 = arith.select %eq3A_172, %add3A_170, %select_n3A_165 : vector<16xf32>
    %get3A_174 = arith.constant 8 : i32
    %get3A_175 = arith.index_cast %get3A_174 : i32 to index
    %get3A_176 = arith.constant 0 : index
    %get3A_177 = tpu.vector_load %arg17[%get3A_175, %get3A_176] {strides = array<i32>} : memref<16x128xf32, #tpu.memory_space<vmem>>, vector<16xf32>,
    %add3A_178 = arith.addf %add3A_170, %get3A_177 : vector<16xf32>
    %eq3A_179 = arith.constant 9 : i32
    %eq3A_180 = arith.cmpi eq, %arg1, %eq3A_179 : i32
    %select_n3A_181 = arith.select %eq3A_180, %add3A_178, %select_n3A_173 : vector<16xf32>
    %get3A_182 = arith.constant 9 : i32
    %get3A_183 = arith.index_cast %get3A_182 : i32 to index
    %get3A_184 = arith.constant 0 : index
    %get3A_185 = tpu.vector_load %arg17[%get3A_183, %get3A_184] {strides = array<i32>} : memref<16x128xf32, #tpu.memory_space<vmem>>, vector<16xf32>,
    %add3A_186 = arith.addf %add3A_178, %get3A_185 : vector<16xf32>
    %eq3A_187 = arith.constant 10 : i32
    %eq3A_188 = arith.cmpi eq, %arg1, %eq3A_187 : i32
    %select_n3A_189 = arith.select %eq3A_188, %add3A_186, %select_n3A_181 : vector<16xf32>
    %get3A_190 = arith.constant 10 : i32
    %get3A_191 = arith.index_cast %get3A_190 : i32 to index
    %get3A_192 = arith.constant 0 : index
    %get3A_193 = tpu.vector_load %arg17[%get3A_191, %get3A_192] {strides = array<i32>} : memref<16x128xf32, #tpu.memory_space<vmem>>, vector<16xf32>,
    %add3A_194 = arith.addf %add3A_186, %get3A_193 : vector<16xf32>
    %eq3A_195 = arith.constant 11 : i32
    %eq3A_196 = arith.cmpi eq, %arg1, %eq3A_195 : i32
    %select_n3A_197 = arith.select %eq3A_196, %add3A_194, %select_n3A_189 : vector<16xf32>
    %get3A_198 = arith.constant 11 : i32
    %get3A_199 = arith.index_cast %get3A_198 : i32 to index
    %get3A_200 = arith.constant 0 : index
    %get3A_201 = tpu.vector_load %arg17[%get3A_199, %get3A_200] {strides = array<i32>} : memref<16x128xf32, #tpu.memory_space<vmem>>, vector<16xf32>,
    %add3A_202 = arith.addf %add3A_194, %get3A_201 : vector<16xf32>
    %eq3A_203 = arith.constant 12 : i32
    %eq3A_204 = arith.cmpi eq, %arg1, %eq3A_203 : i32
    %select_n3A_205 = arith.select %eq3A_204, %add3A_202, %select_n3A_197 : vector<16xf32>
    %get3A_206 = arith.constant 12 : i32
    %get3A_207 = arith.index_cast %get3A_206 : i32 to index
    %get3A_208 = arith.constant 0 : index
    %get3A_209 = tpu.vector_load %arg17[%get3A_207, %get3A_208] {strides = array<i32>} : memref<16x128xf32, #tpu.memory_space<vmem>>, vector<16xf32>,
    %add3A_210 = arith.addf %add3A_202, %get3A_209 : vector<16xf32>
    %eq3A_211 = arith.constant 13 : i32
    %eq3A_212 = arith.cmpi eq, %arg1, %eq3A_211 : i32
    %select_n3A_213 = arith.select %eq3A_212, %add3A_210, %select_n3A_205 : vector<16xf32>
    %get3A_214 = arith.constant 13 : i32
    %get3A_215 = arith.index_cast %get3A_214 : i32 to index
    %get3A_216 = arith.constant 0 : index
    %get3A_217 = tpu.vector_load %arg17[%get3A_215, %get3A_216] {strides = array<i32>} : memref<16x128xf32, #tpu.memory_space<vmem>>, vector<16xf32>,
    %add3A_218 = arith.addf %add3A_210, %get3A_217 : vector<16xf32>
    %eq3A_219 = arith.constant 14 : i32
    %eq3A_220 = arith.cmpi eq, %arg1, %eq3A_219 : i32
    %select_n3A_221 = arith.select %eq3A_220, %add3A_218, %select_n3A_213 : vector<16xf32>
    %get3A_222 = arith.constant 14 : i32
    %get3A_223 = arith.index_cast %get3A_222 : i32 to index
    %get3A_224 = arith.constant 0 : index
    %get3A_225 = tpu.vector_load %arg17[%get3A_223, %get3A_224] {strides = array<i32>} : memref<16x128xf32, #tpu.memory_space<vmem>>, vector<16xf32>,
    %add3A_226 = arith.addf %add3A_218, %get3A_225 : vector<16xf32>
    %eq3A_227 = arith.constant 15 : i32
    %eq3A_228 = arith.cmpi eq, %arg1, %eq3A_227 : i32
    %select_n3A_229 = arith.select %eq3A_228, %add3A_226, %select_n3A_221 : vector<16xf32>
    %get3A_230 = arith.constant 15 : i32
    %get3A_231 = arith.index_cast %get3A_230 : i32 to index
    %get3A_232 = arith.constant 0 : index
    %get3A_233 = tpu.vector_load %arg17[%get3A_231, %get3A_232] {strides = array<i32>} : memref<16x128xf32, #tpu.memory_space<vmem>>, vector<16xf32>,
    %add3A_234 = arith.addf %add3A_226, %get3A_233 : vector<16xf32>
    %eq3A_235 = arith.constant 0 : i32
    %eq3A_236 = vector.broadcast %eq3A_235 : i32 to vector<16xi32>
    %eq3A_237 = arith.cmpi eq, %iota3A, %eq3A_236 : vector<16xi32>
    %jit3A_238 = arith.constant 0.000000e+00 : f32
    %broadcast_in_dim3A_239 = vector.broadcast %jit3A_238 : f32 to vector<16xf32>
    %select_n3A_240 = arith.select %eq3A_237, %add3A_234, %broadcast_in_dim3A_239 : vector<16xi1>, vector<16xf32>
    %reduce_sum3A_241 = arith.constant true
    %reduce_sum3A_242 = vector.broadcast %reduce_sum3A_241 : i1 to vector<16xi1>
    %reduce_sum3A_243 = tpu.scan <sum>, %select_n3A_240 masked %reduce_sum3A_242 : vector<16xf32>, vector<16xi1> -> vector<16xf32>
    %reduce_sum3A_244 = vector.extract %reduce_sum3A_243[15] : f32 from vector<16xf32>
    %eq3A_245 = arith.constant 1 : i32
    %eq3A_246 = vector.broadcast %eq3A_245 : i32 to vector<16xi32>
    %eq3A_247 = arith.cmpi eq, %iota3A, %eq3A_246 : vector<16xi32>
    %jit3A_248 = arith.constant 0.000000e+00 : f32
    %broadcast_in_dim3A_249 = vector.broadcast %jit3A_248 : f32 to vector<16xf32>
    %select_n3A_250 = arith.select %eq3A_247, %add3A_234, %broadcast_in_dim3A_249 : vector<16xi1>, vector<16xf32>
    %reduce_sum3A_251 = arith.constant true
    %reduce_sum3A_252 = vector.broadcast %reduce_sum3A_251 : i1 to vector<16xi1>
    %reduce_sum3A_253 = tpu.scan <sum>, %select_n3A_250 masked %reduce_sum3A_252 : vector<16xf32>, vector<16xi1> -> vector<16xf32>
    %reduce_sum3A_254 = vector.extract %reduce_sum3A_253[15] : f32 from vector<16xf32>
    %eq3A_255 = arith.constant 0 : i32
    %eq3A_256 = vector.broadcast %eq3A_255 : i32 to vector<16xi32>
    %eq3A_257 = arith.cmpi eq, %iota3A, %eq3A_256 : vector<16xi32>
    %jit3A_258 = arith.constant 0.000000e+00 : f32
    %broadcast_in_dim3A_259 = vector.broadcast %jit3A_258 : f32 to vector<16xf32>
    %select_n3A_260 = arith.select %eq3A_257, %select_n3A_229, %broadcast_in_dim3A_259 : vector<16xi1>, vector<16xf32>
    %reduce_sum3A_261 = arith.constant true
    %reduce_sum3A_262 = vector.broadcast %reduce_sum3A_261 : i1 to vector<16xi1>
    %reduce_sum3A_263 = tpu.scan <sum>, %select_n3A_260 masked %reduce_sum3A_262 : vector<16xf32>, vector<16xi1> -> vector<16xf32>
    %reduce_sum3A_264 = vector.extract %reduce_sum3A_263[15] : f32 from vector<16xf32>
    %eq3A_265 = arith.constant 1 : i32
    %eq3A_266 = vector.broadcast %eq3A_265 : i32 to vector<16xi32>
    %eq3A_267 = arith.cmpi eq, %iota3A, %eq3A_266 : vector<16xi32>
    %jit3A_268 = arith.constant 0.000000e+00 : f32
    %broadcast_in_dim3A_269 = vector.broadcast %jit3A_268 : f32 to vector<16xf32>
    %select_n3A_270 = arith.select %eq3A_267, %select_n3A_229, %broadcast_in_dim3A_269 : vector<16xi1>, vector<16xf32>
    %reduce_sum3A_271 = arith.constant true
    %reduce_sum3A_272 = vector.broadcast %reduce_sum3A_271 : i1 to vector<16xi1>
    %reduce_sum3A_273 = tpu.scan <sum>, %select_n3A_270 masked %reduce_sum3A_272 : vector<16xf32>, vector<16xi1> -> vector<16xf32>
    %reduce_sum3A_274 = vector.extract %reduce_sum3A_273[15] : f32 from vector<16xf32>
    %min3A = arith.constant 1.280000e+02 : f32
    %min3A_275 = arith.minimumf %reduce_sum3A_244, %min3A : f32
    %ge3A_276 = arith.constant 1.280000e+02 : f32
    %ge3A_277 = arith.cmpf oge, %reduce_sum3A_244, %ge3A_276 : f32
    %lt3A_278 = arith.constant 1.280000e+02 : f32
    %lt3A_279 = arith.cmpf olt, %reduce_sum3A_244, %lt3A_278 : f32
    %jit3A_280 = arith.constant 1.280000e+02 : f32
    %select_n3A_281 = arith.select %lt3A_279, %reduce_sum3A_244, %jit3A_280 : f32
    %min3A_282 = arith.minimumf %select_n3A_281, %reduce_sum3A_254 : f32
    %parallel_loop3A_283 = arith.constant 0 : i32
    %parallel_loop3A_284 = arith.constant 1280 : i32
    %parallel_loop3A_285 = arith.constant 16 : i32
    %parallel_loop3A_286:5 = scf.for %parallel_loop3A_323 = %parallel_loop3A_283 to %parallel_loop3A_284 step %parallel_loop3A_285 iter_args(%parallel_loop3A_324 = %reduce_sum3A_264, %parallel_loop3A_325 = %reduce_sum3A_274, %parallel_loop3A_326 = %broadcast_in_dim3A_33, %parallel_loop3A_327 = %broadcast_in_dim3A_33, %parallel_loop3A_328 = %broadcast_in_dim3A_33) -> (f32, f32, vector<16xf32>, vector<16xf32>, vector<16xf32>)  : i32 {
      %parallel_loop3A_329 = arith.index_cast %parallel_loop3A_323 : i32 to index
      %parallel_loop3A_330 = tpu.vector_load %arg10[%parallel_loop3A_329] {strides = array<i32>} : memref<1280xf32, #tpu.memory_space<vmem>>, vector<16xf32>,
      %parallel_loop3A_331 = arith.index_cast %parallel_loop3A_323 : i32 to index
      %parallel_loop3A_332 = tpu.vector_load %arg11[%parallel_loop3A_331] {strides = array<i32>} : memref<1280xf32, #tpu.memory_space<vmem>>, vector<16xf32>,
      %parallel_loop3A_333 = arith.index_cast %parallel_loop3A_323 : i32 to index
      %parallel_loop3A_334 = tpu.vector_load %arg12[%parallel_loop3A_333] {strides = array<i32>} : memref<1280xf32, #tpu.memory_space<vmem>>, vector<16xf32>,
      %parallel_loop3A_335 = arith.index_cast %parallel_loop3A_323 : i32 to index
      %parallel_loop3A_336 = tpu.vector_load %arg13[%parallel_loop3A_335] {strides = array<i32>} : memref<1280xf32, #tpu.memory_space<vmem>>, vector<16xf32>,
      %parallel_loop3A_337 = arith.index_cast %parallel_loop3A_323 : i32 to index
      %parallel_loop3A_338 = tpu.vector_load %arg14[%parallel_loop3A_337] {strides = array<i32>} : memref<1280xf32, #tpu.memory_space<vmem>>, vector<16xf32>,
      %parallel_loop3A_339 = arith.index_cast %parallel_loop3A_323 : i32 to index
      %parallel_loop3A_340 = tpu.vector_load %arg15[%parallel_loop3A_339] {strides = array<i32>} : memref<1280xf32, #tpu.memory_space<vmem>>, vector<16xf32>,
      %parallel_loop3A_341 = arith.constant true
      %parallel_loop3A_342 = vector.broadcast %parallel_loop3A_341 : i1 to vector<16xi1>
      %parallel_loop3A_343 = tpu.scan <sum>, %parallel_loop3A_330 masked %parallel_loop3A_342 : vector<16xf32>, vector<16xi1> -> vector<16xf32>
      %parallel_loop3A_344 = vector.broadcast %parallel_loop3A_324 : f32 to vector<16xf32>
      %parallel_loop3A_345 = arith.addf %parallel_loop3A_343, %parallel_loop3A_344 : vector<16xf32>
      %parallel_loop3A_346 = arith.constant 0.000000e+00 : f32
      %parallel_loop3A_347 = vector.broadcast %parallel_loop3A_346 : f32 to vector<16xf32>
      %parallel_loop3A_348 = arith.cmpf ogt, %parallel_loop3A_330, %parallel_loop3A_347 : vector<16xf32>
      %parallel_loop3A_349 = vector.broadcast %min3A_275 : f32 to vector<16xf32>
      %parallel_loop3A_350 = arith.cmpf ole, %parallel_loop3A_345, %parallel_loop3A_349 : vector<16xf32>
      %parallel_loop3A_351 = arith.andi %parallel_loop3A_348, %parallel_loop3A_350 : vector<16xi1>
      %parallel_loop3A_352 = arith.select %ge3A_277, %parallel_loop3A_336, %parallel_loop3A_334 : vector<16xf32>
      %parallel_loop3A_353 = arith.constant 0.000000e+00 : f32
      %parallel_loop3A_354 = vector.broadcast %parallel_loop3A_353 : f32 to vector<16xf32>
      %parallel_loop3A_355 = arith.select %parallel_loop3A_351, %parallel_loop3A_352, %parallel_loop3A_354 : vector<16xi1>, vector<16xf32>
      %parallel_loop3A_356 = arith.addf %parallel_loop3A_326, %parallel_loop3A_355 : vector<16xf32>
      %parallel_loop3A_357 = arith.constant 0.000000e+00 : f32
      %parallel_loop3A_358 = vector.broadcast %parallel_loop3A_357 : f32 to vector<16xf32>
      %parallel_loop3A_359 = arith.select %parallel_loop3A_351, %parallel_loop3A_338, %parallel_loop3A_358 : vector<16xi1>, vector<16xf32>
      %parallel_loop3A_360 = arith.addf %parallel_loop3A_327, %parallel_loop3A_359 : vector<16xf32>
      %parallel_loop3A_361 = arith.constant true
      %parallel_loop3A_362 = vector.broadcast %parallel_loop3A_361 : i1 to vector<16xi1>
      %parallel_loop3A_363 = tpu.scan <sum>, %parallel_loop3A_332 masked %parallel_loop3A_362 : vector<16xf32>, vector<16xi1> -> vector<16xf32>
      %parallel_loop3A_364 = vector.broadcast %parallel_loop3A_325 : f32 to vector<16xf32>
      %parallel_loop3A_365 = arith.addf %parallel_loop3A_363, %parallel_loop3A_364 : vector<16xf32>
      %parallel_loop3A_366 = arith.constant 0.000000e+00 : f32
      %parallel_loop3A_367 = vector.broadcast %parallel_loop3A_366 : f32 to vector<16xf32>
      %parallel_loop3A_368 = arith.cmpf ogt, %parallel_loop3A_332, %parallel_loop3A_367 : vector<16xf32>
      %parallel_loop3A_369 = vector.broadcast %min3A_282 : f32 to vector<16xf32>
      %parallel_loop3A_370 = arith.cmpf ole, %parallel_loop3A_365, %parallel_loop3A_369 : vector<16xf32>
      %parallel_loop3A_371 = arith.andi %parallel_loop3A_368, %parallel_loop3A_370 : vector<16xi1>
      %parallel_loop3A_372 = arith.constant 0.000000e+00 : f32
      %parallel_loop3A_373 = vector.broadcast %parallel_loop3A_372 : f32 to vector<16xf32>
      %parallel_loop3A_374 = arith.select %parallel_loop3A_371, %parallel_loop3A_340, %parallel_loop3A_373 : vector<16xi1>, vector<16xf32>
      %parallel_loop3A_375 = arith.addf %parallel_loop3A_328, %parallel_loop3A_374 : vector<16xf32>
      %parallel_loop3A_376 = arith.constant true
      %parallel_loop3A_377 = vector.broadcast %parallel_loop3A_376 : i1 to vector<16xi1>
      %parallel_loop3A_378 = tpu.scan <sum>, %parallel_loop3A_330 masked %parallel_loop3A_377 : vector<16xf32>, vector<16xi1> -> vector<16xf32>
      %parallel_loop3A_379 = vector.extract %parallel_loop3A_378[15] : f32 from vector<16xf32>
      %parallel_loop3A_380 = arith.addf %parallel_loop3A_324, %parallel_loop3A_379 : f32
      %parallel_loop3A_381 = arith.constant true
      %parallel_loop3A_382 = vector.broadcast %parallel_loop3A_381 : i1 to vector<16xi1>
      %parallel_loop3A_383 = tpu.scan <sum>, %parallel_loop3A_332 masked %parallel_loop3A_382 : vector<16xf32>, vector<16xi1> -> vector<16xf32>
      %parallel_loop3A_384 = vector.extract %parallel_loop3A_383[15] : f32 from vector<16xf32>
      %parallel_loop3A_385 = arith.addf %parallel_loop3A_325, %parallel_loop3A_384 : f32
      scf.yield %parallel_loop3A_380, %parallel_loop3A_385, %parallel_loop3A_356, %parallel_loop3A_360, %parallel_loop3A_375 : f32, f32, vector<16xf32>, vector<16xf32>, vector<16xf32>
    } {sc.loop_unroll_factor = 4 : i64, sc.parallel_access}
    %reduce_sum3A_287 = arith.constant true
    %reduce_sum3A_288 = vector.broadcast %reduce_sum3A_287 : i1 to vector<16xi1>
    %reduce_sum3A_289 = tpu.scan <sum>, %parallel_loop3A_286#2 masked %reduce_sum3A_288 : vector<16xf32>, vector<16xi1> -> vector<16xf32>
    %reduce_sum3A_290 = vector.extract %reduce_sum3A_289[15] : f32 from vector<16xf32>
    %reduce_sum3A_291 = arith.constant true
    %reduce_sum3A_292 = vector.broadcast %reduce_sum3A_291 : i1 to vector<16xi1>
    %reduce_sum3A_293 = tpu.scan <sum>, %parallel_loop3A_286#3 masked %reduce_sum3A_292 : vector<16xf32>, vector<16xi1> -> vector<16xf32>
    %reduce_sum3A_294 = vector.extract %reduce_sum3A_293[15] : f32 from vector<16xf32>
    %reduce_sum3A_295 = arith.constant true
    %reduce_sum3A_296 = vector.broadcast %reduce_sum3A_295 : i1 to vector<16xi1>
    %reduce_sum3A_297 = tpu.scan <sum>, %parallel_loop3A_286#4 masked %reduce_sum3A_296 : vector<16xf32>, vector<16xi1> -> vector<16xf32>
    %reduce_sum3A_298 = vector.extract %reduce_sum3A_297[15] : f32 from vector<16xf32>
    %eq3A_299 = arith.constant 0 : i32
    %eq3A_300 = vector.broadcast %eq3A_299 : i32 to vector<16xi32>
    %eq3A_301 = arith.cmpi eq, %iota3A, %eq3A_300 : vector<16xi32>
    %eq3A_302 = arith.constant 1 : i32
    %eq3A_303 = vector.broadcast %eq3A_302 : i32 to vector<16xi32>
    %eq3A_304 = arith.cmpi eq, %iota3A, %eq3A_303 : vector<16xi32>
    %eq3A_305 = arith.constant 2 : i32
    %eq3A_306 = vector.broadcast %eq3A_305 : i32 to vector<16xi32>
    %eq3A_307 = arith.cmpi eq, %iota3A, %eq3A_306 : vector<16xi32>
    %jit3A_308 = arith.constant 0.000000e+00 : f32
    %broadcast_in_dim3A_309 = vector.broadcast %reduce_sum3A_298 : f32 to vector<16xf32>
    %broadcast_in_dim3A_310 = vector.broadcast %jit3A_308 : f32 to vector<16xf32>
    %select_n3A_311 = arith.select %eq3A_307, %broadcast_in_dim3A_309, %broadcast_in_dim3A_310 : vector<16xi1>, vector<16xf32>
    %broadcast_in_dim3A_312 = vector.broadcast %reduce_sum3A_294 : f32 to vector<16xf32>
    %select_n3A_313 = arith.select %eq3A_304, %broadcast_in_dim3A_312, %select_n3A_311 : vector<16xi1>, vector<16xf32>
    %broadcast_in_dim3A_314 = vector.broadcast %reduce_sum3A_290 : f32 to vector<16xf32>
    %select_n3A_315 = arith.select %eq3A_301, %broadcast_in_dim3A_314, %select_n3A_313 : vector<16xi1>, vector<16xf32>
    %swap3A_316 = arith.constant 0 : index
    %swap3A_317 = tpu.vector_load %arg19[%swap3A_316] {strides = array<i32>} : memref<128xf32, #tpu.memory_space<vmem>>, vector<16xf32>,
    tpu.vector_store %arg19[%swap3A_316], %select_n3A_315 {strides = array<i32>} : memref<128xf32, #tpu.memory_space<vmem>>, vector<16xf32>,
    "tpu.region"() ({
      %run_scoped3A = tpu.sem_alloc : memref<!tpu.dma_semaphore, #tpu.memory_space<semaphore_mem>>
      %dma_start3A_323 = arith.constant 0 : i32
      %dma_start3A_324 = tpu.memref_slice %arg20[%arg1, %dma_start3A_323] : memref<16x128xf32, #tpu.memory_space<vmem_shared>> -> memref<1x128xf32, #tpu.memory_space<vmem_shared>>
      %dma_start3A_325 = tpu.memref_squeeze %dma_start3A_324 : memref<1x128xf32, #tpu.memory_space<vmem_shared>> -> memref<128xf32, #tpu.memory_space<vmem_shared>>
      %dma_start3A_326 = arith.constant 0 : i32
      %dma_start3A_327 = tpu.memref_slice %arg20[%arg1, %dma_start3A_326] : memref<16x128xf32, #tpu.memory_space<vmem_shared>> -> memref<1x128xf32, #tpu.memory_space<vmem_shared>>
      %dma_start3A_328 = tpu.memref_squeeze %dma_start3A_327 : memref<1x128xf32, #tpu.memory_space<vmem_shared>> -> memref<128xf32, #tpu.memory_space<vmem_shared>>
      tpu.enqueue_dma source(%arg19 : memref<128xf32, #tpu.memory_space<vmem>>) target(%dma_start3A_328 : memref<128xf32, #tpu.memory_space<vmem_shared>>) target_semaphore(%run_scoped3A : memref<!tpu.dma_semaphore, #tpu.memory_space<semaphore_mem>>)
      %dma_wait3A_329 = arith.constant 0 : i32
      %dma_wait3A_330 = tpu.memref_slice %arg20[%arg1, %dma_wait3A_329] : memref<16x128xf32, #tpu.memory_space<vmem_shared>> -> memref<1x128xf32, #tpu.memory_space<vmem_shared>>
      %dma_wait3A_331 = tpu.memref_squeeze %dma_wait3A_330 : memref<1x128xf32, #tpu.memory_space<vmem_shared>> -> memref<128xf32, #tpu.memory_space<vmem_shared>>
      %dma_wait3A_332 = arith.constant 0 : i32
      %dma_wait3A_333 = tpu.memref_slice %arg20[%arg1, %dma_wait3A_332] : memref<16x128xf32, #tpu.memory_space<vmem_shared>> -> memref<1x128xf32, #tpu.memory_space<vmem_shared>>
      %dma_wait3A_334 = tpu.memref_squeeze %dma_wait3A_333 : memref<1x128xf32, #tpu.memory_space<vmem_shared>> -> memref<128xf32, #tpu.memory_space<vmem_shared>>
      tpu.wait_dma2 semaphore(%run_scoped3A : memref<!tpu.dma_semaphore, #tpu.memory_space<semaphore_mem>>) src(%arg19 : memref<128xf32, #tpu.memory_space<vmem>>) dst(%dma_wait3A_334 : memref<128xf32, #tpu.memory_space<vmem_shared>>)
      tpu.yield
    }) : () -> ()
    %barrier3A_318 = arith.constant 0 : index
    tpu.barrier barrier_id(%barrier3A_318)
    %eq3A_319 = arith.constant 0 : i32
    %eq3A_320 = arith.cmpi eq, %arg1, %eq3A_319 : i32
    %convert_element_type3A_321 = arith.extui %eq3A_320 : i1 to i32
    %cond3A = arith.constant 0 : i32
    %cond3A_322 = arith.cmpi ne, %convert_element_type3A_321, %cond3A : i32
    scf.if %cond3A_322 {
      "tpu.region"() ({
        %run_scoped3A = tpu.sem_alloc : memref<!tpu.dma_semaphore, #tpu.memory_space<semaphore_mem>>
        tpu.enqueue_dma source(%arg20 : memref<16x128xf32, #tpu.memory_space<vmem_shared>>) target(%arg17 : memref<16x128xf32, #tpu.memory_space<vmem>>) target_semaphore(%run_scoped3A : memref<!tpu.dma_semaphore, #tpu.memory_space<semaphore_mem>>)
        tpu.wait_dma2 semaphore(%run_scoped3A : memref<!tpu.dma_semaphore, #tpu.memory_space<semaphore_mem>>) src(%arg20 : memref<16x128xf32, #tpu.memory_space<vmem_shared>>) dst(%arg17 : memref<16x128xf32, #tpu.memory_space<vmem>>)
        tpu.yield
      }) : () -> ()
      %broadcast_in_dim3A_323 = arith.constant 0.000000e+00 : f32
      %broadcast_in_dim3A_324 = vector.broadcast %broadcast_in_dim3A_323 : f32 to vector<16xf32>
      %get3A_325 = arith.constant 0 : i32
      %get3A_326 = arith.index_cast %get3A_325 : i32 to index
      %get3A_327 = arith.constant 0 : index
      %get3A_328 = tpu.vector_load %arg17[%get3A_326, %get3A_327] {strides = array<i32>} : memref<16x128xf32, #tpu.memory_space<vmem>>, vector<16xf32>,
      %add3A_329 = arith.addf %broadcast_in_dim3A_324, %get3A_328 : vector<16xf32>
      %get3A_330 = arith.constant 1 : i32
      %get3A_331 = arith.index_cast %get3A_330 : i32 to index
      %get3A_332 = arith.constant 0 : index
      %get3A_333 = tpu.vector_load %arg17[%get3A_331, %get3A_332] {strides = array<i32>} : memref<16x128xf32, #tpu.memory_space<vmem>>, vector<16xf32>,
      %add3A_334 = arith.addf %add3A_329, %get3A_333 : vector<16xf32>
      %get3A_335 = arith.constant 2 : i32
      %get3A_336 = arith.index_cast %get3A_335 : i32 to index
      %get3A_337 = arith.constant 0 : index
      %get3A_338 = tpu.vector_load %arg17[%get3A_336, %get3A_337] {strides = array<i32>} : memref<16x128xf32, #tpu.memory_space<vmem>>, vector<16xf32>,
      %add3A_339 = arith.addf %add3A_334, %get3A_338 : vector<16xf32>
      %get3A_340 = arith.constant 3 : i32
      %get3A_341 = arith.index_cast %get3A_340 : i32 to index
      %get3A_342 = arith.constant 0 : index
      %get3A_343 = tpu.vector_load %arg17[%get3A_341, %get3A_342] {strides = array<i32>} : memref<16x128xf32, #tpu.memory_space<vmem>>, vector<16xf32>,
      %add3A_344 = arith.addf %add3A_339, %get3A_343 : vector<16xf32>
      %get3A_345 = arith.constant 4 : i32
      %get3A_346 = arith.index_cast %get3A_345 : i32 to index
      %get3A_347 = arith.constant 0 : index
      %get3A_348 = tpu.vector_load %arg17[%get3A_346, %get3A_347] {strides = array<i32>} : memref<16x128xf32, #tpu.memory_space<vmem>>, vector<16xf32>,
      %add3A_349 = arith.addf %add3A_344, %get3A_348 : vector<16xf32>
      %get3A_350 = arith.constant 5 : i32
      %get3A_351 = arith.index_cast %get3A_350 : i32 to index
      %get3A_352 = arith.constant 0 : index
      %get3A_353 = tpu.vector_load %arg17[%get3A_351, %get3A_352] {strides = array<i32>} : memref<16x128xf32, #tpu.memory_space<vmem>>, vector<16xf32>,
      %add3A_354 = arith.addf %add3A_349, %get3A_353 : vector<16xf32>
      %get3A_355 = arith.constant 6 : i32
      %get3A_356 = arith.index_cast %get3A_355 : i32 to index
      %get3A_357 = arith.constant 0 : index
      %get3A_358 = tpu.vector_load %arg17[%get3A_356, %get3A_357] {strides = array<i32>} : memref<16x128xf32, #tpu.memory_space<vmem>>, vector<16xf32>,
      %add3A_359 = arith.addf %add3A_354, %get3A_358 : vector<16xf32>
      %get3A_360 = arith.constant 7 : i32
      %get3A_361 = arith.index_cast %get3A_360 : i32 to index
      %get3A_362 = arith.constant 0 : index
      %get3A_363 = tpu.vector_load %arg17[%get3A_361, %get3A_362] {strides = array<i32>} : memref<16x128xf32, #tpu.memory_space<vmem>>, vector<16xf32>,
      %add3A_364 = arith.addf %add3A_359, %get3A_363 : vector<16xf32>
      %get3A_365 = arith.constant 8 : i32
      %get3A_366 = arith.index_cast %get3A_365 : i32 to index
      %get3A_367 = arith.constant 0 : index
      %get3A_368 = tpu.vector_load %arg17[%get3A_366, %get3A_367] {strides = array<i32>} : memref<16x128xf32, #tpu.memory_space<vmem>>, vector<16xf32>,
      %add3A_369 = arith.addf %add3A_364, %get3A_368 : vector<16xf32>
      %get3A_370 = arith.constant 9 : i32
      %get3A_371 = arith.index_cast %get3A_370 : i32 to index
      %get3A_372 = arith.constant 0 : index
      %get3A_373 = tpu.vector_load %arg17[%get3A_371, %get3A_372] {strides = array<i32>} : memref<16x128xf32, #tpu.memory_space<vmem>>, vector<16xf32>,
      %add3A_374 = arith.addf %add3A_369, %get3A_373 : vector<16xf32>
      %get3A_375 = arith.constant 10 : i32
      %get3A_376 = arith.index_cast %get3A_375 : i32 to index
      %get3A_377 = arith.constant 0 : index
      %get3A_378 = tpu.vector_load %arg17[%get3A_376, %get3A_377] {strides = array<i32>} : memref<16x128xf32, #tpu.memory_space<vmem>>, vector<16xf32>,
      %add3A_379 = arith.addf %add3A_374, %get3A_378 : vector<16xf32>
      %get3A_380 = arith.constant 11 : i32
      %get3A_381 = arith.index_cast %get3A_380 : i32 to index
      %get3A_382 = arith.constant 0 : index
      %get3A_383 = tpu.vector_load %arg17[%get3A_381, %get3A_382] {strides = array<i32>} : memref<16x128xf32, #tpu.memory_space<vmem>>, vector<16xf32>,
      %add3A_384 = arith.addf %add3A_379, %get3A_383 : vector<16xf32>
      %get3A_385 = arith.constant 12 : i32
      %get3A_386 = arith.index_cast %get3A_385 : i32 to index
      %get3A_387 = arith.constant 0 : index
      %get3A_388 = tpu.vector_load %arg17[%get3A_386, %get3A_387] {strides = array<i32>} : memref<16x128xf32, #tpu.memory_space<vmem>>, vector<16xf32>,
      %add3A_389 = arith.addf %add3A_384, %get3A_388 : vector<16xf32>
      %get3A_390 = arith.constant 13 : i32
      %get3A_391 = arith.index_cast %get3A_390 : i32 to index
      %get3A_392 = arith.constant 0 : index
      %get3A_393 = tpu.vector_load %arg17[%get3A_391, %get3A_392] {strides = array<i32>} : memref<16x128xf32, #tpu.memory_space<vmem>>, vector<16xf32>,
      %add3A_394 = arith.addf %add3A_389, %get3A_393 : vector<16xf32>
      %get3A_395 = arith.constant 14 : i32
      %get3A_396 = arith.index_cast %get3A_395 : i32 to index
      %get3A_397 = arith.constant 0 : index
      %get3A_398 = tpu.vector_load %arg17[%get3A_396, %get3A_397] {strides = array<i32>} : memref<16x128xf32, #tpu.memory_space<vmem>>, vector<16xf32>,
      %add3A_399 = arith.addf %add3A_394, %get3A_398 : vector<16xf32>
      %get3A_400 = arith.constant 15 : i32
      %get3A_401 = arith.index_cast %get3A_400 : i32 to index
      %get3A_402 = arith.constant 0 : index
      %get3A_403 = tpu.vector_load %arg17[%get3A_401, %get3A_402] {strides = array<i32>} : memref<16x128xf32, #tpu.memory_space<vmem>>, vector<16xf32>,
      %add3A_404 = arith.addf %add3A_399, %get3A_403 : vector<16xf32>
      %eq3A_405 = arith.constant 0 : i32
      %eq3A_406 = vector.broadcast %eq3A_405 : i32 to vector<16xi32>
      %eq3A_407 = arith.cmpi eq, %iota3A, %eq3A_406 : vector<16xi32>
      %jit3A_408 = arith.constant 0.000000e+00 : f32
      %broadcast_in_dim3A_409 = vector.broadcast %jit3A_408 : f32 to vector<16xf32>
      %select_n3A_410 = arith.select %eq3A_407, %add3A_404, %broadcast_in_dim3A_409 : vector<16xi1>, vector<16xf32>
      %reduce_sum3A_411 = arith.constant true
      %reduce_sum3A_412 = vector.broadcast %reduce_sum3A_411 : i1 to vector<16xi1>
      %reduce_sum3A_413 = tpu.scan <sum>, %select_n3A_410 masked %reduce_sum3A_412 : vector<16xf32>, vector<16xi1> -> vector<16xf32>
      %reduce_sum3A_414 = vector.extract %reduce_sum3A_413[15] : f32 from vector<16xf32>
      %eq3A_415 = arith.constant 1 : i32
      %eq3A_416 = vector.broadcast %eq3A_415 : i32 to vector<16xi32>
      %eq3A_417 = arith.cmpi eq, %iota3A, %eq3A_416 : vector<16xi32>
      %jit3A_418 = arith.constant 0.000000e+00 : f32
      %broadcast_in_dim3A_419 = vector.broadcast %jit3A_418 : f32 to vector<16xf32>
      %select_n3A_420 = arith.select %eq3A_417, %add3A_404, %broadcast_in_dim3A_419 : vector<16xi1>, vector<16xf32>
      %reduce_sum3A_421 = arith.constant true
      %reduce_sum3A_422 = vector.broadcast %reduce_sum3A_421 : i1 to vector<16xi1>
      %reduce_sum3A_423 = tpu.scan <sum>, %select_n3A_420 masked %reduce_sum3A_422 : vector<16xf32>, vector<16xi1> -> vector<16xf32>
      %reduce_sum3A_424 = vector.extract %reduce_sum3A_423[15] : f32 from vector<16xf32>
      %eq3A_425 = arith.constant 2 : i32
      %eq3A_426 = vector.broadcast %eq3A_425 : i32 to vector<16xi32>
      %eq3A_427 = arith.cmpi eq, %iota3A, %eq3A_426 : vector<16xi32>
      %jit3A_428 = arith.constant 0.000000e+00 : f32
      %broadcast_in_dim3A_429 = vector.broadcast %jit3A_428 : f32 to vector<16xf32>
      %select_n3A_430 = arith.select %eq3A_427, %add3A_404, %broadcast_in_dim3A_429 : vector<16xi1>, vector<16xf32>
      %reduce_sum3A_431 = arith.constant true
      %reduce_sum3A_432 = vector.broadcast %reduce_sum3A_431 : i1 to vector<16xi1>
      %reduce_sum3A_433 = tpu.scan <sum>, %select_n3A_430 masked %reduce_sum3A_432 : vector<16xf32>, vector<16xi1> -> vector<16xf32>
      %reduce_sum3A_434 = vector.extract %reduce_sum3A_433[15] : f32 from vector<16xf32>
      %broadcast_in_dim3A_435 = arith.constant 1.000000e+00 : f32
      %broadcast_in_dim3A_436 = vector.broadcast %broadcast_in_dim3A_435 : f32 to vector<16xf32>
      %mul3A_437 = vector.broadcast %reduce_sum3A_424 : f32 to vector<16xf32>
      %mul3A_438 = arith.mulf %broadcast_in_dim3A_436, %mul3A_437 : vector<16xf32>
      %mul3A_439 = vector.broadcast %reduce_sum3A_414 : f32 to vector<16xf32>
      %mul3A_440 = arith.mulf %broadcast_in_dim3A_436, %mul3A_439 : vector<16xf32>
      %sub3A_441 = arith.subf %mul3A_438, %mul3A_440 : vector<16xf32>
      %mul3A_442 = vector.broadcast %min3A_275 : f32 to vector<16xf32>
      %mul3A_443 = arith.mulf %broadcast_in_dim3A_436, %mul3A_442 : vector<16xf32>
      %div3A = arith.divf %sub3A_441, %mul3A_443 : vector<16xf32>
      %mul3A_444 = vector.broadcast %reduce_sum3A_434 : f32 to vector<16xf32>
      %mul3A_445 = arith.mulf %broadcast_in_dim3A_436, %mul3A_444 : vector<16xf32>
      %mul3A_446 = vector.broadcast %min3A_282 : f32 to vector<16xf32>
      %mul3A_447 = arith.mulf %broadcast_in_dim3A_436, %mul3A_446 : vector<16xf32>
      %div3A_448 = arith.divf %mul3A_445, %mul3A_447 : vector<16xf32>
      %sub3A_449 = arith.subf %div3A, %div3A_448 : vector<16xf32>
      %swap3A_450 = arith.constant 0 : index
      %swap3A_451 = tpu.vector_load %arg18[%swap3A_450] {strides = array<i32>} : memref<16xf32, #tpu.memory_space<vmem>>, vector<16xf32>,
      tpu.vector_store %arg18[%swap3A_450], %sub3A_449 {strides = array<i32>} : memref<16xf32, #tpu.memory_space<vmem>>, vector<16xf32>,
      "tpu.region"() ({
        %run_scoped3A = tpu.sem_alloc : memref<!tpu.dma_semaphore, #tpu.memory_space<semaphore_mem>>
        tpu.enqueue_dma source(%arg18 : memref<16xf32, #tpu.memory_space<vmem>>) target(%arg9 : memref<16xf32, #tpu.memory_space<hbm>>) target_semaphore(%run_scoped3A : memref<!tpu.dma_semaphore, #tpu.memory_space<semaphore_mem>>)
        tpu.wait_dma2 semaphore(%run_scoped3A : memref<!tpu.dma_semaphore, #tpu.memory_space<semaphore_mem>>) src(%arg18 : memref<16xf32, #tpu.memory_space<vmem>>) dst(%arg9 : memref<16xf32, #tpu.memory_space<hbm>>)
        tpu.yield
      }) : () -> ()
    } else {
    }
    return
  }
}

module attributes {stable_mosaic.version = 14 : i64} {
  func.func @_tc_stage(%arg0: memref<4x160x128xf32, #tpu.memory_space<vmem>>, %arg1: memref<2x160x128xf32, #tpu.memory_space<vmem>>, %arg2: memref<4x160x128xf32, #tpu.memory_space<vmem>>, %arg3: memref<50x4xf32, #tpu.memory_space<smem>>, %arg4: memref<160x128xf32, #tpu.memory_space<vmem>>, %arg5: memref<160x128xf32, #tpu.memory_space<vmem>>, %arg6: memref<160x128xf32, #tpu.memory_space<vmem>>, %arg7: memref<160x128xf32, #tpu.memory_space<vmem>>, %arg8: memref<160x128xf32, #tpu.memory_space<vmem>>, %arg9: memref<160x128xf32, #tpu.memory_space<vmem>>, %arg10: memref<8x128xf32, #tpu.memory_space<vmem>>, %arg11: memref<50x160x128xf32, #tpu.memory_space<vmem>>, %arg12: memref<50x1x128xf32, #tpu.memory_space<vmem>>, %arg13: memref<50x1x128xf32, #tpu.memory_space<vmem>>) attributes {dimension_semantics = [], scalar_prefetch = 0 : i64, scratch_operands = 3 : i64, tpu.core_type = #tpu.core_type<tc>} {
    %get3A = arith.constant 0 : index
    %get3A_0 = arith.constant 0 : index
    %get3A_1 = arith.constant 0 : index
    %get3A_2 = vector.load %arg0[%get3A, %get3A_0, %get3A_1] : memref<4x160x128xf32, #tpu.memory_space<vmem>>, vector<1x160x128xf32>
    %get3A_3 = vector.shape_cast %get3A_2 : vector<1x160x128xf32> to vector<160x128xf32>
    %get3A_4 = arith.constant 1 : index
    %get3A_5 = arith.constant 0 : index
    %get3A_6 = arith.constant 0 : index
    %get3A_7 = vector.load %arg0[%get3A_4, %get3A_5, %get3A_6] : memref<4x160x128xf32, #tpu.memory_space<vmem>>, vector<1x160x128xf32>
    %get3A_8 = vector.shape_cast %get3A_7 : vector<1x160x128xf32> to vector<160x128xf32>
    %get3A_9 = arith.constant 2 : index
    %get3A_10 = arith.constant 0 : index
    %get3A_11 = arith.constant 0 : index
    %get3A_12 = vector.load %arg0[%get3A_9, %get3A_10, %get3A_11] : memref<4x160x128xf32, #tpu.memory_space<vmem>>, vector<1x160x128xf32>
    %get3A_13 = vector.shape_cast %get3A_12 : vector<1x160x128xf32> to vector<160x128xf32>
    %get3A_14 = arith.constant 3 : index
    %get3A_15 = arith.constant 0 : index
    %get3A_16 = arith.constant 0 : index
    %get3A_17 = vector.load %arg0[%get3A_14, %get3A_15, %get3A_16] : memref<4x160x128xf32, #tpu.memory_space<vmem>>, vector<1x160x128xf32>
    %get3A_18 = vector.shape_cast %get3A_17 : vector<1x160x128xf32> to vector<160x128xf32>
    %sub3A = arith.subf %get3A_13, %get3A_3 : vector<160x128xf32>
    %sub3A_19 = arith.subf %get3A_18, %get3A_8 : vector<160x128xf32>
    %mul3A = arith.mulf %sub3A, %sub3A_19 : vector<160x128xf32>
    %iota3A = tpu.iota {dimensions = array<i32: 0>} : vector<160x128xi32>
    %iota3A_20 = tpu.iota {dimensions = array<i32: 1>} : vector<160x128xi32>
    %mul3A_21 = arith.constant 128 : i32
    %mul3A_22 = vector.broadcast %mul3A_21 : i32 to vector<160x128xi32>
    %mul3A_23 = arith.muli %iota3A, %mul3A_22 : vector<160x128xi32>
    %add3A = arith.addi %mul3A_23, %iota3A_20 : vector<160x128xi32>
    %convert_element_type3A = arith.sitofp %add3A : vector<160x128xi32> to vector<160x128xf32>
    %lt3A = arith.constant 20000 : i32
    %lt3A_24 = vector.broadcast %lt3A : i32 to vector<160x128xi32>
    %lt3A_25 = arith.cmpi slt, %add3A, %lt3A_24 : vector<160x128xi32>
    %broadcast_in_dim3A = arith.constant -1.000000e+00 : f32
    %broadcast_in_dim3A_26 = vector.broadcast %broadcast_in_dim3A : f32 to vector<160x128xf32>
    %broadcast_in_dim3A_27 = arith.constant 0.000000e+00 : f32
    %broadcast_in_dim3A_28 = vector.broadcast %broadcast_in_dim3A_27 : f32 to vector<160x128xf32>
    %add3A_29 = arith.constant 1.000000e+00 : f32
    %add3A_30 = vector.broadcast %add3A_29 : f32 to vector<160x128xf32>
    %add3A_31 = arith.addf %broadcast_in_dim3A_28, %add3A_30 : vector<160x128xf32>
    %add3A_32 = arith.constant 1.000000e+00 : f32
    %add3A_33 = vector.broadcast %add3A_32 : f32 to vector<160x128xf32>
    %add3A_34 = arith.addf %broadcast_in_dim3A_28, %add3A_33 : vector<160x128xf32>
    %scan3A = arith.constant 0 : i32
    %scan3A_35 = arith.constant 50 : i32
    %scan3A_36 = arith.addi %scan3A, %scan3A_35 : i32
    %scan3A_37 = arith.constant 5 : i32
    %scan3A_38:5 = scf.for %scan3A_242 = %scan3A to %scan3A_36 step %scan3A_37 iter_args(%scan3A_243 = %broadcast_in_dim3A_26, %scan3A_244 = %broadcast_in_dim3A_28, %scan3A_245 = %broadcast_in_dim3A_28, %scan3A_246 = %add3A_31, %scan3A_247 = %add3A_34) -> (vector<160x128xf32>, vector<160x128xf32>, vector<160x128xf32>, vector<160x128xf32>, vector<160x128xf32>)  : i32 {
      %get3A_248 = arith.index_cast %scan3A_242 : i32 to index
      %get3A_249 = arith.constant 0 : index
      %get3A_250 = memref.load %arg3[%get3A_248, %get3A_249] : memref<50x4xf32, #tpu.memory_space<smem>>
      %get3A_251 = arith.index_cast %scan3A_242 : i32 to index
      %get3A_252 = arith.constant 1 : index
      %get3A_253 = memref.load %arg3[%get3A_251, %get3A_252] : memref<50x4xf32, #tpu.memory_space<smem>>
      %get3A_254 = arith.index_cast %scan3A_242 : i32 to index
      %get3A_255 = arith.constant 2 : index
      %get3A_256 = memref.load %arg3[%get3A_254, %get3A_255] : memref<50x4xf32, #tpu.memory_space<smem>>
      %get3A_257 = arith.index_cast %scan3A_242 : i32 to index
      %get3A_258 = arith.constant 3 : index
      %get3A_259 = memref.load %arg3[%get3A_257, %get3A_258] : memref<50x4xf32, #tpu.memory_space<smem>>
      %sub3A_260 = arith.subf %get3A_256, %get3A_250 : f32
      %sub3A_261 = arith.subf %get3A_259, %get3A_253 : f32
      %mul3A_262 = arith.mulf %sub3A_260, %sub3A_261 : f32
      %min3A = vector.broadcast %get3A_256 : f32 to vector<160x128xf32>
      %min3A_263 = arith.minimumf %get3A_13, %min3A : vector<160x128xf32>
      %max3A_264 = vector.broadcast %get3A_250 : f32 to vector<160x128xf32>
      %max3A_265 = arith.maximumf %get3A_3, %max3A_264 : vector<160x128xf32>
      %sub3A_266 = arith.subf %min3A_263, %max3A_265 : vector<160x128xf32>
      %max3A_267 = arith.constant 0.000000e+00 : f32
      %max3A_268 = vector.broadcast %max3A_267 : f32 to vector<160x128xf32>
      %max3A_269 = arith.maximumf %sub3A_266, %max3A_268 : vector<160x128xf32>
      %min3A_270 = vector.broadcast %get3A_259 : f32 to vector<160x128xf32>
      %min3A_271 = arith.minimumf %get3A_18, %min3A_270 : vector<160x128xf32>
      %max3A_272 = vector.broadcast %get3A_253 : f32 to vector<160x128xf32>
      %max3A_273 = arith.maximumf %get3A_8, %max3A_272 : vector<160x128xf32>
      %sub3A_274 = arith.subf %min3A_271, %max3A_273 : vector<160x128xf32>
      %max3A_275 = arith.constant 0.000000e+00 : f32
      %max3A_276 = vector.broadcast %max3A_275 : f32 to vector<160x128xf32>
      %max3A_277 = arith.maximumf %sub3A_274, %max3A_276 : vector<160x128xf32>
      %mul3A_278 = arith.mulf %max3A_269, %max3A_277 : vector<160x128xf32>
      %add3A_279 = vector.broadcast %mul3A_262 : f32 to vector<160x128xf32>
      %add3A_280 = arith.addf %mul3A, %add3A_279 : vector<160x128xf32>
      %sub3A_281 = arith.subf %add3A_280, %mul3A_278 : vector<160x128xf32>
      %div3A_282 = arith.divf %mul3A_278, %sub3A_281 : vector<160x128xf32>
      %jit3A_283 = arith.constant -1.000000e+00 : f32
      %broadcast_in_dim3A_284 = vector.broadcast %jit3A_283 : f32 to vector<160x128xf32>
      %select_n3A_285 = arith.select %lt3A_25, %div3A_282, %broadcast_in_dim3A_284 : vector<160x128xi1>, vector<160x128xf32>
      %swap3A_286 = arith.index_cast %scan3A_242 : i32 to index
      %swap3A_287 = arith.constant 0 : index
      %swap3A_288 = arith.constant 0 : index
      %swap3A_289 = vector.load %arg11[%swap3A_286, %swap3A_287, %swap3A_288] : memref<50x160x128xf32, #tpu.memory_space<vmem>>, vector<1x160x128xf32>
      %swap3A_290 = vector.shape_cast %swap3A_289 : vector<1x160x128xf32> to vector<160x128xf32>
      %swap3A_291 = vector.shape_cast %select_n3A_285 : vector<160x128xf32> to vector<1x160x128xf32>
      tpu.vector_store %arg11[%swap3A_286, %swap3A_287, %swap3A_288], %swap3A_291 {strides = array<i32>} : memref<50x160x128xf32, #tpu.memory_space<vmem>>, vector<1x160x128xf32>,
      %reduce_max3A_292 = arith.constant dense<0xFF800000> : vector<128xf32>
      %reduce_max3A_293 = vector.multi_reduction <maximumf>, %select_n3A_285, %reduce_max3A_292 [0] : vector<160x128xf32> to vector<128xf32>
      %broadcast_in_dim3A_294 = vector.shape_cast %reduce_max3A_293 : vector<128xf32> to vector<1x128xf32>
      %swap3A_295 = arith.index_cast %scan3A_242 : i32 to index
      %swap3A_296 = arith.constant 0 : index
      %swap3A_297 = arith.constant 0 : index
      %swap3A_298 = vector.load %arg12[%swap3A_295, %swap3A_296, %swap3A_297] : memref<50x1x128xf32, #tpu.memory_space<vmem>>, vector<1x1x128xf32>
      %swap3A_299 = vector.shape_cast %swap3A_298 : vector<1x1x128xf32> to vector<1x128xf32>
      %swap3A_300 = vector.shape_cast %broadcast_in_dim3A_294 : vector<1x128xf32> to vector<1x1x128xf32>
      tpu.vector_store %arg12[%swap3A_295, %swap3A_296, %swap3A_297], %swap3A_300 {strides = array<i32>} : memref<50x1x128xf32, #tpu.memory_space<vmem>>, vector<1x1x128xf32>,
      %gt3A_301 = arith.cmpf ogt, %select_n3A_285, %scan3A_243 : vector<160x128xf32>
      %select_n3A_302 = arith.select %gt3A_301, %select_n3A_285, %scan3A_243 : vector<160x128xi1>, vector<160x128xf32>
      %broadcast_in_dim3A_303 = vector.broadcast %get3A_250 : f32 to vector<160x128xf32>
      %select_n3A_304 = arith.select %gt3A_301, %broadcast_in_dim3A_303, %scan3A_244 : vector<160x128xi1>, vector<160x128xf32>
      %broadcast_in_dim3A_305 = vector.broadcast %get3A_253 : f32 to vector<160x128xf32>
      %select_n3A_306 = arith.select %gt3A_301, %broadcast_in_dim3A_305, %scan3A_245 : vector<160x128xi1>, vector<160x128xf32>
      %broadcast_in_dim3A_307 = vector.broadcast %get3A_256 : f32 to vector<160x128xf32>
      %select_n3A_308 = arith.select %gt3A_301, %broadcast_in_dim3A_307, %scan3A_246 : vector<160x128xi1>, vector<160x128xf32>
      %broadcast_in_dim3A_309 = vector.broadcast %get3A_259 : f32 to vector<160x128xf32>
      %select_n3A_310 = arith.select %gt3A_301, %broadcast_in_dim3A_309, %scan3A_247 : vector<160x128xi1>, vector<160x128xf32>
      %scan3A_311 = arith.constant 1 : i32
      %scan3A_312 = arith.addi %scan3A_242, %scan3A_311 : i32
      %get3A_313 = arith.index_cast %scan3A_312 : i32 to index
      %get3A_314 = arith.constant 0 : index
      %get3A_315 = memref.load %arg3[%get3A_313, %get3A_314] : memref<50x4xf32, #tpu.memory_space<smem>>
      %get3A_316 = arith.index_cast %scan3A_312 : i32 to index
      %get3A_317 = arith.constant 1 : index
      %get3A_318 = memref.load %arg3[%get3A_316, %get3A_317] : memref<50x4xf32, #tpu.memory_space<smem>>
      %get3A_319 = arith.index_cast %scan3A_312 : i32 to index
      %get3A_320 = arith.constant 2 : index
      %get3A_321 = memref.load %arg3[%get3A_319, %get3A_320] : memref<50x4xf32, #tpu.memory_space<smem>>
      %get3A_322 = arith.index_cast %scan3A_312 : i32 to index
      %get3A_323 = arith.constant 3 : index
      %get3A_324 = memref.load %arg3[%get3A_322, %get3A_323] : memref<50x4xf32, #tpu.memory_space<smem>>
      %sub3A_325 = arith.subf %get3A_321, %get3A_315 : f32
      %sub3A_326 = arith.subf %get3A_324, %get3A_318 : f32
      %mul3A_327 = arith.mulf %sub3A_325, %sub3A_326 : f32
      %min3A_328 = vector.broadcast %get3A_321 : f32 to vector<160x128xf32>
      %min3A_329 = arith.minimumf %get3A_13, %min3A_328 : vector<160x128xf32>
      %max3A_330 = vector.broadcast %get3A_315 : f32 to vector<160x128xf32>
      %max3A_331 = arith.maximumf %get3A_3, %max3A_330 : vector<160x128xf32>
      %sub3A_332 = arith.subf %min3A_329, %max3A_331 : vector<160x128xf32>
      %max3A_333 = arith.constant 0.000000e+00 : f32
      %max3A_334 = vector.broadcast %max3A_333 : f32 to vector<160x128xf32>
      %max3A_335 = arith.maximumf %sub3A_332, %max3A_334 : vector<160x128xf32>
      %min3A_336 = vector.broadcast %get3A_324 : f32 to vector<160x128xf32>
      %min3A_337 = arith.minimumf %get3A_18, %min3A_336 : vector<160x128xf32>
      %max3A_338 = vector.broadcast %get3A_318 : f32 to vector<160x128xf32>
      %max3A_339 = arith.maximumf %get3A_8, %max3A_338 : vector<160x128xf32>
      %sub3A_340 = arith.subf %min3A_337, %max3A_339 : vector<160x128xf32>
      %max3A_341 = arith.constant 0.000000e+00 : f32
      %max3A_342 = vector.broadcast %max3A_341 : f32 to vector<160x128xf32>
      %max3A_343 = arith.maximumf %sub3A_340, %max3A_342 : vector<160x128xf32>
      %mul3A_344 = arith.mulf %max3A_335, %max3A_343 : vector<160x128xf32>
      %add3A_345 = vector.broadcast %mul3A_327 : f32 to vector<160x128xf32>
      %add3A_346 = arith.addf %mul3A, %add3A_345 : vector<160x128xf32>
      %sub3A_347 = arith.subf %add3A_346, %mul3A_344 : vector<160x128xf32>
      %div3A_348 = arith.divf %mul3A_344, %sub3A_347 : vector<160x128xf32>
      %jit3A_349 = arith.constant -1.000000e+00 : f32
      %broadcast_in_dim3A_350 = vector.broadcast %jit3A_349 : f32 to vector<160x128xf32>
      %select_n3A_351 = arith.select %lt3A_25, %div3A_348, %broadcast_in_dim3A_350 : vector<160x128xi1>, vector<160x128xf32>
      %swap3A_352 = arith.index_cast %scan3A_312 : i32 to index
      %swap3A_353 = arith.constant 0 : index
      %swap3A_354 = arith.constant 0 : index
      %swap3A_355 = vector.load %arg11[%swap3A_352, %swap3A_353, %swap3A_354] : memref<50x160x128xf32, #tpu.memory_space<vmem>>, vector<1x160x128xf32>
      %swap3A_356 = vector.shape_cast %swap3A_355 : vector<1x160x128xf32> to vector<160x128xf32>
      %swap3A_357 = vector.shape_cast %select_n3A_351 : vector<160x128xf32> to vector<1x160x128xf32>
      tpu.vector_store %arg11[%swap3A_352, %swap3A_353, %swap3A_354], %swap3A_357 {strides = array<i32>} : memref<50x160x128xf32, #tpu.memory_space<vmem>>, vector<1x160x128xf32>,
      %reduce_max3A_358 = arith.constant dense<0xFF800000> : vector<128xf32>
      %reduce_max3A_359 = vector.multi_reduction <maximumf>, %select_n3A_351, %reduce_max3A_358 [0] : vector<160x128xf32> to vector<128xf32>
      %broadcast_in_dim3A_360 = vector.shape_cast %reduce_max3A_359 : vector<128xf32> to vector<1x128xf32>
      %swap3A_361 = arith.index_cast %scan3A_312 : i32 to index
      %swap3A_362 = arith.constant 0 : index
      %swap3A_363 = arith.constant 0 : index
      %swap3A_364 = vector.load %arg12[%swap3A_361, %swap3A_362, %swap3A_363] : memref<50x1x128xf32, #tpu.memory_space<vmem>>, vector<1x1x128xf32>
      %swap3A_365 = vector.shape_cast %swap3A_364 : vector<1x1x128xf32> to vector<1x128xf32>
      %swap3A_366 = vector.shape_cast %broadcast_in_dim3A_360 : vector<1x128xf32> to vector<1x1x128xf32>
      tpu.vector_store %arg12[%swap3A_361, %swap3A_362, %swap3A_363], %swap3A_366 {strides = array<i32>} : memref<50x1x128xf32, #tpu.memory_space<vmem>>, vector<1x1x128xf32>,
      %gt3A_367 = arith.cmpf ogt, %select_n3A_351, %select_n3A_302 : vector<160x128xf32>
      %select_n3A_368 = arith.select %gt3A_367, %select_n3A_351, %select_n3A_302 : vector<160x128xi1>, vector<160x128xf32>
      %broadcast_in_dim3A_369 = vector.broadcast %get3A_315 : f32 to vector<160x128xf32>
      %select_n3A_370 = arith.select %gt3A_367, %broadcast_in_dim3A_369, %select_n3A_304 : vector<160x128xi1>, vector<160x128xf32>
      %broadcast_in_dim3A_371 = vector.broadcast %get3A_318 : f32 to vector<160x128xf32>
      %select_n3A_372 = arith.select %gt3A_367, %broadcast_in_dim3A_371, %select_n3A_306 : vector<160x128xi1>, vector<160x128xf32>
      %broadcast_in_dim3A_373 = vector.broadcast %get3A_321 : f32 to vector<160x128xf32>
      %select_n3A_374 = arith.select %gt3A_367, %broadcast_in_dim3A_373, %select_n3A_308 : vector<160x128xi1>, vector<160x128xf32>
      %broadcast_in_dim3A_375 = vector.broadcast %get3A_324 : f32 to vector<160x128xf32>
      %select_n3A_376 = arith.select %gt3A_367, %broadcast_in_dim3A_375, %select_n3A_310 : vector<160x128xi1>, vector<160x128xf32>
      %scan3A_377 = arith.constant 2 : i32
      %scan3A_378 = arith.addi %scan3A_242, %scan3A_377 : i32
      %get3A_379 = arith.index_cast %scan3A_378 : i32 to index
      %get3A_380 = arith.constant 0 : index
      %get3A_381 = memref.load %arg3[%get3A_379, %get3A_380] : memref<50x4xf32, #tpu.memory_space<smem>>
      %get3A_382 = arith.index_cast %scan3A_378 : i32 to index
      %get3A_383 = arith.constant 1 : index
      %get3A_384 = memref.load %arg3[%get3A_382, %get3A_383] : memref<50x4xf32, #tpu.memory_space<smem>>
      %get3A_385 = arith.index_cast %scan3A_378 : i32 to index
      %get3A_386 = arith.constant 2 : index
      %get3A_387 = memref.load %arg3[%get3A_385, %get3A_386] : memref<50x4xf32, #tpu.memory_space<smem>>
      %get3A_388 = arith.index_cast %scan3A_378 : i32 to index
      %get3A_389 = arith.constant 3 : index
      %get3A_390 = memref.load %arg3[%get3A_388, %get3A_389] : memref<50x4xf32, #tpu.memory_space<smem>>
      %sub3A_391 = arith.subf %get3A_387, %get3A_381 : f32
      %sub3A_392 = arith.subf %get3A_390, %get3A_384 : f32
      %mul3A_393 = arith.mulf %sub3A_391, %sub3A_392 : f32
      %min3A_394 = vector.broadcast %get3A_387 : f32 to vector<160x128xf32>
      %min3A_395 = arith.minimumf %get3A_13, %min3A_394 : vector<160x128xf32>
      %max3A_396 = vector.broadcast %get3A_381 : f32 to vector<160x128xf32>
      %max3A_397 = arith.maximumf %get3A_3, %max3A_396 : vector<160x128xf32>
      %sub3A_398 = arith.subf %min3A_395, %max3A_397 : vector<160x128xf32>
      %max3A_399 = arith.constant 0.000000e+00 : f32
      %max3A_400 = vector.broadcast %max3A_399 : f32 to vector<160x128xf32>
      %max3A_401 = arith.maximumf %sub3A_398, %max3A_400 : vector<160x128xf32>
      %min3A_402 = vector.broadcast %get3A_390 : f32 to vector<160x128xf32>
      %min3A_403 = arith.minimumf %get3A_18, %min3A_402 : vector<160x128xf32>
      %max3A_404 = vector.broadcast %get3A_384 : f32 to vector<160x128xf32>
      %max3A_405 = arith.maximumf %get3A_8, %max3A_404 : vector<160x128xf32>
      %sub3A_406 = arith.subf %min3A_403, %max3A_405 : vector<160x128xf32>
      %max3A_407 = arith.constant 0.000000e+00 : f32
      %max3A_408 = vector.broadcast %max3A_407 : f32 to vector<160x128xf32>
      %max3A_409 = arith.maximumf %sub3A_406, %max3A_408 : vector<160x128xf32>
      %mul3A_410 = arith.mulf %max3A_401, %max3A_409 : vector<160x128xf32>
      %add3A_411 = vector.broadcast %mul3A_393 : f32 to vector<160x128xf32>
      %add3A_412 = arith.addf %mul3A, %add3A_411 : vector<160x128xf32>
      %sub3A_413 = arith.subf %add3A_412, %mul3A_410 : vector<160x128xf32>
      %div3A_414 = arith.divf %mul3A_410, %sub3A_413 : vector<160x128xf32>
      %jit3A_415 = arith.constant -1.000000e+00 : f32
      %broadcast_in_dim3A_416 = vector.broadcast %jit3A_415 : f32 to vector<160x128xf32>
      %select_n3A_417 = arith.select %lt3A_25, %div3A_414, %broadcast_in_dim3A_416 : vector<160x128xi1>, vector<160x128xf32>
      %swap3A_418 = arith.index_cast %scan3A_378 : i32 to index
      %swap3A_419 = arith.constant 0 : index
      %swap3A_420 = arith.constant 0 : index
      %swap3A_421 = vector.load %arg11[%swap3A_418, %swap3A_419, %swap3A_420] : memref<50x160x128xf32, #tpu.memory_space<vmem>>, vector<1x160x128xf32>
      %swap3A_422 = vector.shape_cast %swap3A_421 : vector<1x160x128xf32> to vector<160x128xf32>
      %swap3A_423 = vector.shape_cast %select_n3A_417 : vector<160x128xf32> to vector<1x160x128xf32>
      tpu.vector_store %arg11[%swap3A_418, %swap3A_419, %swap3A_420], %swap3A_423 {strides = array<i32>} : memref<50x160x128xf32, #tpu.memory_space<vmem>>, vector<1x160x128xf32>,
      %reduce_max3A_424 = arith.constant dense<0xFF800000> : vector<128xf32>
      %reduce_max3A_425 = vector.multi_reduction <maximumf>, %select_n3A_417, %reduce_max3A_424 [0] : vector<160x128xf32> to vector<128xf32>
      %broadcast_in_dim3A_426 = vector.shape_cast %reduce_max3A_425 : vector<128xf32> to vector<1x128xf32>
      %swap3A_427 = arith.index_cast %scan3A_378 : i32 to index
      %swap3A_428 = arith.constant 0 : index
      %swap3A_429 = arith.constant 0 : index
      %swap3A_430 = vector.load %arg12[%swap3A_427, %swap3A_428, %swap3A_429] : memref<50x1x128xf32, #tpu.memory_space<vmem>>, vector<1x1x128xf32>
      %swap3A_431 = vector.shape_cast %swap3A_430 : vector<1x1x128xf32> to vector<1x128xf32>
      %swap3A_432 = vector.shape_cast %broadcast_in_dim3A_426 : vector<1x128xf32> to vector<1x1x128xf32>
      tpu.vector_store %arg12[%swap3A_427, %swap3A_428, %swap3A_429], %swap3A_432 {strides = array<i32>} : memref<50x1x128xf32, #tpu.memory_space<vmem>>, vector<1x1x128xf32>,
      %gt3A_433 = arith.cmpf ogt, %select_n3A_417, %select_n3A_368 : vector<160x128xf32>
      %select_n3A_434 = arith.select %gt3A_433, %select_n3A_417, %select_n3A_368 : vector<160x128xi1>, vector<160x128xf32>
      %broadcast_in_dim3A_435 = vector.broadcast %get3A_381 : f32 to vector<160x128xf32>
      %select_n3A_436 = arith.select %gt3A_433, %broadcast_in_dim3A_435, %select_n3A_370 : vector<160x128xi1>, vector<160x128xf32>
      %broadcast_in_dim3A_437 = vector.broadcast %get3A_384 : f32 to vector<160x128xf32>
      %select_n3A_438 = arith.select %gt3A_433, %broadcast_in_dim3A_437, %select_n3A_372 : vector<160x128xi1>, vector<160x128xf32>
      %broadcast_in_dim3A_439 = vector.broadcast %get3A_387 : f32 to vector<160x128xf32>
      %select_n3A_440 = arith.select %gt3A_433, %broadcast_in_dim3A_439, %select_n3A_374 : vector<160x128xi1>, vector<160x128xf32>
      %broadcast_in_dim3A_441 = vector.broadcast %get3A_390 : f32 to vector<160x128xf32>
      %select_n3A_442 = arith.select %gt3A_433, %broadcast_in_dim3A_441, %select_n3A_376 : vector<160x128xi1>, vector<160x128xf32>
      %scan3A_443 = arith.constant 3 : i32
      %scan3A_444 = arith.addi %scan3A_242, %scan3A_443 : i32
      %get3A_445 = arith.index_cast %scan3A_444 : i32 to index
      %get3A_446 = arith.constant 0 : index
      %get3A_447 = memref.load %arg3[%get3A_445, %get3A_446] : memref<50x4xf32, #tpu.memory_space<smem>>
      %get3A_448 = arith.index_cast %scan3A_444 : i32 to index
      %get3A_449 = arith.constant 1 : index
      %get3A_450 = memref.load %arg3[%get3A_448, %get3A_449] : memref<50x4xf32, #tpu.memory_space<smem>>
      %get3A_451 = arith.index_cast %scan3A_444 : i32 to index
      %get3A_452 = arith.constant 2 : index
      %get3A_453 = memref.load %arg3[%get3A_451, %get3A_452] : memref<50x4xf32, #tpu.memory_space<smem>>
      %get3A_454 = arith.index_cast %scan3A_444 : i32 to index
      %get3A_455 = arith.constant 3 : index
      %get3A_456 = memref.load %arg3[%get3A_454, %get3A_455] : memref<50x4xf32, #tpu.memory_space<smem>>
      %sub3A_457 = arith.subf %get3A_453, %get3A_447 : f32
      %sub3A_458 = arith.subf %get3A_456, %get3A_450 : f32
      %mul3A_459 = arith.mulf %sub3A_457, %sub3A_458 : f32
      %min3A_460 = vector.broadcast %get3A_453 : f32 to vector<160x128xf32>
      %min3A_461 = arith.minimumf %get3A_13, %min3A_460 : vector<160x128xf32>
      %max3A_462 = vector.broadcast %get3A_447 : f32 to vector<160x128xf32>
      %max3A_463 = arith.maximumf %get3A_3, %max3A_462 : vector<160x128xf32>
      %sub3A_464 = arith.subf %min3A_461, %max3A_463 : vector<160x128xf32>
      %max3A_465 = arith.constant 0.000000e+00 : f32
      %max3A_466 = vector.broadcast %max3A_465 : f32 to vector<160x128xf32>
      %max3A_467 = arith.maximumf %sub3A_464, %max3A_466 : vector<160x128xf32>
      %min3A_468 = vector.broadcast %get3A_456 : f32 to vector<160x128xf32>
      %min3A_469 = arith.minimumf %get3A_18, %min3A_468 : vector<160x128xf32>
      %max3A_470 = vector.broadcast %get3A_450 : f32 to vector<160x128xf32>
      %max3A_471 = arith.maximumf %get3A_8, %max3A_470 : vector<160x128xf32>
      %sub3A_472 = arith.subf %min3A_469, %max3A_471 : vector<160x128xf32>
      %max3A_473 = arith.constant 0.000000e+00 : f32
      %max3A_474 = vector.broadcast %max3A_473 : f32 to vector<160x128xf32>
      %max3A_475 = arith.maximumf %sub3A_472, %max3A_474 : vector<160x128xf32>
      %mul3A_476 = arith.mulf %max3A_467, %max3A_475 : vector<160x128xf32>
      %add3A_477 = vector.broadcast %mul3A_459 : f32 to vector<160x128xf32>
      %add3A_478 = arith.addf %mul3A, %add3A_477 : vector<160x128xf32>
      %sub3A_479 = arith.subf %add3A_478, %mul3A_476 : vector<160x128xf32>
      %div3A_480 = arith.divf %mul3A_476, %sub3A_479 : vector<160x128xf32>
      %jit3A_481 = arith.constant -1.000000e+00 : f32
      %broadcast_in_dim3A_482 = vector.broadcast %jit3A_481 : f32 to vector<160x128xf32>
      %select_n3A_483 = arith.select %lt3A_25, %div3A_480, %broadcast_in_dim3A_482 : vector<160x128xi1>, vector<160x128xf32>
      %swap3A_484 = arith.index_cast %scan3A_444 : i32 to index
      %swap3A_485 = arith.constant 0 : index
      %swap3A_486 = arith.constant 0 : index
      %swap3A_487 = vector.load %arg11[%swap3A_484, %swap3A_485, %swap3A_486] : memref<50x160x128xf32, #tpu.memory_space<vmem>>, vector<1x160x128xf32>
      %swap3A_488 = vector.shape_cast %swap3A_487 : vector<1x160x128xf32> to vector<160x128xf32>
      %swap3A_489 = vector.shape_cast %select_n3A_483 : vector<160x128xf32> to vector<1x160x128xf32>
      tpu.vector_store %arg11[%swap3A_484, %swap3A_485, %swap3A_486], %swap3A_489 {strides = array<i32>} : memref<50x160x128xf32, #tpu.memory_space<vmem>>, vector<1x160x128xf32>,
      %reduce_max3A_490 = arith.constant dense<0xFF800000> : vector<128xf32>
      %reduce_max3A_491 = vector.multi_reduction <maximumf>, %select_n3A_483, %reduce_max3A_490 [0] : vector<160x128xf32> to vector<128xf32>
      %broadcast_in_dim3A_492 = vector.shape_cast %reduce_max3A_491 : vector<128xf32> to vector<1x128xf32>
      %swap3A_493 = arith.index_cast %scan3A_444 : i32 to index
      %swap3A_494 = arith.constant 0 : index
      %swap3A_495 = arith.constant 0 : index
      %swap3A_496 = vector.load %arg12[%swap3A_493, %swap3A_494, %swap3A_495] : memref<50x1x128xf32, #tpu.memory_space<vmem>>, vector<1x1x128xf32>
      %swap3A_497 = vector.shape_cast %swap3A_496 : vector<1x1x128xf32> to vector<1x128xf32>
      %swap3A_498 = vector.shape_cast %broadcast_in_dim3A_492 : vector<1x128xf32> to vector<1x1x128xf32>
      tpu.vector_store %arg12[%swap3A_493, %swap3A_494, %swap3A_495], %swap3A_498 {strides = array<i32>} : memref<50x1x128xf32, #tpu.memory_space<vmem>>, vector<1x1x128xf32>,
      %gt3A_499 = arith.cmpf ogt, %select_n3A_483, %select_n3A_434 : vector<160x128xf32>
      %select_n3A_500 = arith.select %gt3A_499, %select_n3A_483, %select_n3A_434 : vector<160x128xi1>, vector<160x128xf32>
      %broadcast_in_dim3A_501 = vector.broadcast %get3A_447 : f32 to vector<160x128xf32>
      %select_n3A_502 = arith.select %gt3A_499, %broadcast_in_dim3A_501, %select_n3A_436 : vector<160x128xi1>, vector<160x128xf32>
      %broadcast_in_dim3A_503 = vector.broadcast %get3A_450 : f32 to vector<160x128xf32>
      %select_n3A_504 = arith.select %gt3A_499, %broadcast_in_dim3A_503, %select_n3A_438 : vector<160x128xi1>, vector<160x128xf32>
      %broadcast_in_dim3A_505 = vector.broadcast %get3A_453 : f32 to vector<160x128xf32>
      %select_n3A_506 = arith.select %gt3A_499, %broadcast_in_dim3A_505, %select_n3A_440 : vector<160x128xi1>, vector<160x128xf32>
      %broadcast_in_dim3A_507 = vector.broadcast %get3A_456 : f32 to vector<160x128xf32>
      %select_n3A_508 = arith.select %gt3A_499, %broadcast_in_dim3A_507, %select_n3A_442 : vector<160x128xi1>, vector<160x128xf32>
      %scan3A_509 = arith.constant 4 : i32
      %scan3A_510 = arith.addi %scan3A_242, %scan3A_509 : i32
      %get3A_511 = arith.index_cast %scan3A_510 : i32 to index
      %get3A_512 = arith.constant 0 : index
      %get3A_513 = memref.load %arg3[%get3A_511, %get3A_512] : memref<50x4xf32, #tpu.memory_space<smem>>
      %get3A_514 = arith.index_cast %scan3A_510 : i32 to index
      %get3A_515 = arith.constant 1 : index
      %get3A_516 = memref.load %arg3[%get3A_514, %get3A_515] : memref<50x4xf32, #tpu.memory_space<smem>>
      %get3A_517 = arith.index_cast %scan3A_510 : i32 to index
      %get3A_518 = arith.constant 2 : index
      %get3A_519 = memref.load %arg3[%get3A_517, %get3A_518] : memref<50x4xf32, #tpu.memory_space<smem>>
      %get3A_520 = arith.index_cast %scan3A_510 : i32 to index
      %get3A_521 = arith.constant 3 : index
      %get3A_522 = memref.load %arg3[%get3A_520, %get3A_521] : memref<50x4xf32, #tpu.memory_space<smem>>
      %sub3A_523 = arith.subf %get3A_519, %get3A_513 : f32
      %sub3A_524 = arith.subf %get3A_522, %get3A_516 : f32
      %mul3A_525 = arith.mulf %sub3A_523, %sub3A_524 : f32
      %min3A_526 = vector.broadcast %get3A_519 : f32 to vector<160x128xf32>
      %min3A_527 = arith.minimumf %get3A_13, %min3A_526 : vector<160x128xf32>
      %max3A_528 = vector.broadcast %get3A_513 : f32 to vector<160x128xf32>
      %max3A_529 = arith.maximumf %get3A_3, %max3A_528 : vector<160x128xf32>
      %sub3A_530 = arith.subf %min3A_527, %max3A_529 : vector<160x128xf32>
      %max3A_531 = arith.constant 0.000000e+00 : f32
      %max3A_532 = vector.broadcast %max3A_531 : f32 to vector<160x128xf32>
      %max3A_533 = arith.maximumf %sub3A_530, %max3A_532 : vector<160x128xf32>
      %min3A_534 = vector.broadcast %get3A_522 : f32 to vector<160x128xf32>
      %min3A_535 = arith.minimumf %get3A_18, %min3A_534 : vector<160x128xf32>
      %max3A_536 = vector.broadcast %get3A_516 : f32 to vector<160x128xf32>
      %max3A_537 = arith.maximumf %get3A_8, %max3A_536 : vector<160x128xf32>
      %sub3A_538 = arith.subf %min3A_535, %max3A_537 : vector<160x128xf32>
      %max3A_539 = arith.constant 0.000000e+00 : f32
      %max3A_540 = vector.broadcast %max3A_539 : f32 to vector<160x128xf32>
      %max3A_541 = arith.maximumf %sub3A_538, %max3A_540 : vector<160x128xf32>
      %mul3A_542 = arith.mulf %max3A_533, %max3A_541 : vector<160x128xf32>
      %add3A_543 = vector.broadcast %mul3A_525 : f32 to vector<160x128xf32>
      %add3A_544 = arith.addf %mul3A, %add3A_543 : vector<160x128xf32>
      %sub3A_545 = arith.subf %add3A_544, %mul3A_542 : vector<160x128xf32>
      %div3A_546 = arith.divf %mul3A_542, %sub3A_545 : vector<160x128xf32>
      %jit3A_547 = arith.constant -1.000000e+00 : f32
      %broadcast_in_dim3A_548 = vector.broadcast %jit3A_547 : f32 to vector<160x128xf32>
      %select_n3A_549 = arith.select %lt3A_25, %div3A_546, %broadcast_in_dim3A_548 : vector<160x128xi1>, vector<160x128xf32>
      %swap3A_550 = arith.index_cast %scan3A_510 : i32 to index
      %swap3A_551 = arith.constant 0 : index
      %swap3A_552 = arith.constant 0 : index
      %swap3A_553 = vector.load %arg11[%swap3A_550, %swap3A_551, %swap3A_552] : memref<50x160x128xf32, #tpu.memory_space<vmem>>, vector<1x160x128xf32>
      %swap3A_554 = vector.shape_cast %swap3A_553 : vector<1x160x128xf32> to vector<160x128xf32>
      %swap3A_555 = vector.shape_cast %select_n3A_549 : vector<160x128xf32> to vector<1x160x128xf32>
      tpu.vector_store %arg11[%swap3A_550, %swap3A_551, %swap3A_552], %swap3A_555 {strides = array<i32>} : memref<50x160x128xf32, #tpu.memory_space<vmem>>, vector<1x160x128xf32>,
      %reduce_max3A_556 = arith.constant dense<0xFF800000> : vector<128xf32>
      %reduce_max3A_557 = vector.multi_reduction <maximumf>, %select_n3A_549, %reduce_max3A_556 [0] : vector<160x128xf32> to vector<128xf32>
      %broadcast_in_dim3A_558 = vector.shape_cast %reduce_max3A_557 : vector<128xf32> to vector<1x128xf32>
      %swap3A_559 = arith.index_cast %scan3A_510 : i32 to index
      %swap3A_560 = arith.constant 0 : index
      %swap3A_561 = arith.constant 0 : index
      %swap3A_562 = vector.load %arg12[%swap3A_559, %swap3A_560, %swap3A_561] : memref<50x1x128xf32, #tpu.memory_space<vmem>>, vector<1x1x128xf32>
      %swap3A_563 = vector.shape_cast %swap3A_562 : vector<1x1x128xf32> to vector<1x128xf32>
      %swap3A_564 = vector.shape_cast %broadcast_in_dim3A_558 : vector<1x128xf32> to vector<1x1x128xf32>
      tpu.vector_store %arg12[%swap3A_559, %swap3A_560, %swap3A_561], %swap3A_564 {strides = array<i32>} : memref<50x1x128xf32, #tpu.memory_space<vmem>>, vector<1x1x128xf32>,
      %gt3A_565 = arith.cmpf ogt, %select_n3A_549, %select_n3A_500 : vector<160x128xf32>
      %select_n3A_566 = arith.select %gt3A_565, %select_n3A_549, %select_n3A_500 : vector<160x128xi1>, vector<160x128xf32>
      %broadcast_in_dim3A_567 = vector.broadcast %get3A_513 : f32 to vector<160x128xf32>
      %select_n3A_568 = arith.select %gt3A_565, %broadcast_in_dim3A_567, %select_n3A_502 : vector<160x128xi1>, vector<160x128xf32>
      %broadcast_in_dim3A_569 = vector.broadcast %get3A_516 : f32 to vector<160x128xf32>
      %select_n3A_570 = arith.select %gt3A_565, %broadcast_in_dim3A_569, %select_n3A_504 : vector<160x128xi1>, vector<160x128xf32>
      %broadcast_in_dim3A_571 = vector.broadcast %get3A_519 : f32 to vector<160x128xf32>
      %select_n3A_572 = arith.select %gt3A_565, %broadcast_in_dim3A_571, %select_n3A_506 : vector<160x128xi1>, vector<160x128xf32>
      %broadcast_in_dim3A_573 = vector.broadcast %get3A_522 : f32 to vector<160x128xf32>
      %select_n3A_574 = arith.select %gt3A_565, %broadcast_in_dim3A_573, %select_n3A_508 : vector<160x128xi1>, vector<160x128xf32>
      scf.yield %select_n3A_566, %select_n3A_568, %select_n3A_570, %select_n3A_572, %select_n3A_574 : vector<160x128xf32>, vector<160x128xf32>, vector<160x128xf32>, vector<160x128xf32>, vector<160x128xf32>
    }
    %scan3A_39 = arith.constant 50 : i32
    %get3A_40 = arith.constant 0 : index
    %get3A_41 = arith.constant 0 : index
    %get3A_42 = arith.constant 0 : index
    %get3A_43 = vector.load %arg12[%get3A_40, %get3A_41, %get3A_42] : memref<50x1x128xf32, #tpu.memory_space<vmem>>, vector<50x1x128xf32>
    %reduce_max3A = arith.constant dense<0xFF800000> : vector<50x1xf32>
    %reduce_max3A_44 = vector.multi_reduction <maximumf>, %get3A_43, %reduce_max3A [2] : vector<50x1x128xf32> to vector<50x1xf32>
    %broadcast_in_dim3A_45 = vector.shape_cast %reduce_max3A_44 : vector<50x1xf32> to vector<50x1x1xf32>
    %broadcast_in_dim3A_46 = vector.shape_cast %broadcast_in_dim3A_45 : vector<50x1x1xf32> to vector<50x1x1xf32>
    %broadcast_in_dim3A_47 = vector.broadcast %broadcast_in_dim3A_46 : vector<50x1x1xf32> to vector<50x1x128xf32>
    %swap3A = arith.constant 0 : index
    %swap3A_48 = arith.constant 0 : index
    %swap3A_49 = arith.constant 0 : index
    %swap3A_50 = vector.load %arg12[%swap3A, %swap3A_48, %swap3A_49] : memref<50x1x128xf32, #tpu.memory_space<vmem>>, vector<50x1x128xf32>
    tpu.vector_store %arg12[%swap3A, %swap3A_48, %swap3A_49], %broadcast_in_dim3A_47 {strides = array<i32>} : memref<50x1x128xf32, #tpu.memory_space<vmem>>, vector<50x1x128xf32>,
    %scan3A_51 = arith.constant 0 : i32
    %scan3A_52 = arith.constant 50 : i32
    %scan3A_53 = arith.addi %scan3A_51, %scan3A_52 : i32
    %scan3A_54 = arith.constant 5 : i32
    scf.for %scan3A_242 = %scan3A_51 to %scan3A_53 step %scan3A_54  : i32 {
      %get3A_243 = arith.index_cast %scan3A_242 : i32 to index
      %get3A_244 = arith.constant 0 : index
      %get3A_245 = arith.constant 0 : index
      %get3A_246 = vector.load %arg11[%get3A_243, %get3A_244, %get3A_245] : memref<50x160x128xf32, #tpu.memory_space<vmem>>, vector<1x160x128xf32>
      %get3A_247 = vector.shape_cast %get3A_246 : vector<1x160x128xf32> to vector<160x128xf32>
      %get3A_248 = arith.index_cast %scan3A_242 : i32 to index
      %get3A_249 = arith.constant 0 : index
      %get3A_250 = arith.constant 0 : index
      %get3A_251 = vector.load %arg12[%get3A_248, %get3A_249, %get3A_250] : memref<50x1x128xf32, #tpu.memory_space<vmem>>, vector<1x1x128xf32>
      %get3A_252 = vector.shape_cast %get3A_251 : vector<1x1x128xf32> to vector<1x128xf32>
      %broadcast_in_dim3A_253 = vector.shape_cast %get3A_252 : vector<1x128xf32> to vector<1x128xf32>
      %broadcast_in_dim3A_254 = vector.broadcast %broadcast_in_dim3A_253 : vector<1x128xf32> to vector<160x128xf32>
      %eq3A_255 = arith.cmpf oeq, %get3A_247, %broadcast_in_dim3A_254 : vector<160x128xf32>
      %jit3A_256 = arith.constant 3.000000e+07 : f32
      %broadcast_in_dim3A_257 = vector.broadcast %jit3A_256 : f32 to vector<160x128xf32>
      %select_n3A_258 = arith.select %eq3A_255, %convert_element_type3A, %broadcast_in_dim3A_257 : vector<160x128xi1>, vector<160x128xf32>
      %reduce_min3A_259 = arith.constant dense<0x7F800000> : vector<128xf32>
      %reduce_min3A_260 = vector.multi_reduction <minimumf>, %select_n3A_258, %reduce_min3A_259 [0] : vector<160x128xf32> to vector<128xf32>
      %broadcast_in_dim3A_261 = vector.shape_cast %reduce_min3A_260 : vector<128xf32> to vector<1x128xf32>
      %swap3A_262 = arith.index_cast %scan3A_242 : i32 to index
      %swap3A_263 = arith.constant 0 : index
      %swap3A_264 = arith.constant 0 : index
      %swap3A_265 = vector.load %arg13[%swap3A_262, %swap3A_263, %swap3A_264] : memref<50x1x128xf32, #tpu.memory_space<vmem>>, vector<1x1x128xf32>
      %swap3A_266 = vector.shape_cast %swap3A_265 : vector<1x1x128xf32> to vector<1x128xf32>
      %swap3A_267 = vector.shape_cast %broadcast_in_dim3A_261 : vector<1x128xf32> to vector<1x1x128xf32>
      tpu.vector_store %arg13[%swap3A_262, %swap3A_263, %swap3A_264], %swap3A_267 {strides = array<i32>} : memref<50x1x128xf32, #tpu.memory_space<vmem>>, vector<1x1x128xf32>,
      %scan3A_268 = arith.constant 1 : i32
      %scan3A_269 = arith.addi %scan3A_242, %scan3A_268 : i32
      %get3A_270 = arith.index_cast %scan3A_269 : i32 to index
      %get3A_271 = arith.constant 0 : index
      %get3A_272 = arith.constant 0 : index
      %get3A_273 = vector.load %arg11[%get3A_270, %get3A_271, %get3A_272] : memref<50x160x128xf32, #tpu.memory_space<vmem>>, vector<1x160x128xf32>
      %get3A_274 = vector.shape_cast %get3A_273 : vector<1x160x128xf32> to vector<160x128xf32>
      %get3A_275 = arith.index_cast %scan3A_269 : i32 to index
      %get3A_276 = arith.constant 0 : index
      %get3A_277 = arith.constant 0 : index
      %get3A_278 = vector.load %arg12[%get3A_275, %get3A_276, %get3A_277] : memref<50x1x128xf32, #tpu.memory_space<vmem>>, vector<1x1x128xf32>
      %get3A_279 = vector.shape_cast %get3A_278 : vector<1x1x128xf32> to vector<1x128xf32>
      %broadcast_in_dim3A_280 = vector.shape_cast %get3A_279 : vector<1x128xf32> to vector<1x128xf32>
      %broadcast_in_dim3A_281 = vector.broadcast %broadcast_in_dim3A_280 : vector<1x128xf32> to vector<160x128xf32>
      %eq3A_282 = arith.cmpf oeq, %get3A_274, %broadcast_in_dim3A_281 : vector<160x128xf32>
      %jit3A_283 = arith.constant 3.000000e+07 : f32
      %broadcast_in_dim3A_284 = vector.broadcast %jit3A_283 : f32 to vector<160x128xf32>
      %select_n3A_285 = arith.select %eq3A_282, %convert_element_type3A, %broadcast_in_dim3A_284 : vector<160x128xi1>, vector<160x128xf32>
      %reduce_min3A_286 = arith.constant dense<0x7F800000> : vector<128xf32>
      %reduce_min3A_287 = vector.multi_reduction <minimumf>, %select_n3A_285, %reduce_min3A_286 [0] : vector<160x128xf32> to vector<128xf32>
      %broadcast_in_dim3A_288 = vector.shape_cast %reduce_min3A_287 : vector<128xf32> to vector<1x128xf32>
      %swap3A_289 = arith.index_cast %scan3A_269 : i32 to index
      %swap3A_290 = arith.constant 0 : index
      %swap3A_291 = arith.constant 0 : index
      %swap3A_292 = vector.load %arg13[%swap3A_289, %swap3A_290, %swap3A_291] : memref<50x1x128xf32, #tpu.memory_space<vmem>>, vector<1x1x128xf32>
      %swap3A_293 = vector.shape_cast %swap3A_292 : vector<1x1x128xf32> to vector<1x128xf32>
      %swap3A_294 = vector.shape_cast %broadcast_in_dim3A_288 : vector<1x128xf32> to vector<1x1x128xf32>
      tpu.vector_store %arg13[%swap3A_289, %swap3A_290, %swap3A_291], %swap3A_294 {strides = array<i32>} : memref<50x1x128xf32, #tpu.memory_space<vmem>>, vector<1x1x128xf32>,
      %scan3A_295 = arith.constant 2 : i32
      %scan3A_296 = arith.addi %scan3A_242, %scan3A_295 : i32
      %get3A_297 = arith.index_cast %scan3A_296 : i32 to index
      %get3A_298 = arith.constant 0 : index
      %get3A_299 = arith.constant 0 : index
      %get3A_300 = vector.load %arg11[%get3A_297, %get3A_298, %get3A_299] : memref<50x160x128xf32, #tpu.memory_space<vmem>>, vector<1x160x128xf32>
      %get3A_301 = vector.shape_cast %get3A_300 : vector<1x160x128xf32> to vector<160x128xf32>
      %get3A_302 = arith.index_cast %scan3A_296 : i32 to index
      %get3A_303 = arith.constant 0 : index
      %get3A_304 = arith.constant 0 : index
      %get3A_305 = vector.load %arg12[%get3A_302, %get3A_303, %get3A_304] : memref<50x1x128xf32, #tpu.memory_space<vmem>>, vector<1x1x128xf32>
      %get3A_306 = vector.shape_cast %get3A_305 : vector<1x1x128xf32> to vector<1x128xf32>
      %broadcast_in_dim3A_307 = vector.shape_cast %get3A_306 : vector<1x128xf32> to vector<1x128xf32>
      %broadcast_in_dim3A_308 = vector.broadcast %broadcast_in_dim3A_307 : vector<1x128xf32> to vector<160x128xf32>
      %eq3A_309 = arith.cmpf oeq, %get3A_301, %broadcast_in_dim3A_308 : vector<160x128xf32>
      %jit3A_310 = arith.constant 3.000000e+07 : f32
      %broadcast_in_dim3A_311 = vector.broadcast %jit3A_310 : f32 to vector<160x128xf32>
      %select_n3A_312 = arith.select %eq3A_309, %convert_element_type3A, %broadcast_in_dim3A_311 : vector<160x128xi1>, vector<160x128xf32>
      %reduce_min3A_313 = arith.constant dense<0x7F800000> : vector<128xf32>
      %reduce_min3A_314 = vector.multi_reduction <minimumf>, %select_n3A_312, %reduce_min3A_313 [0] : vector<160x128xf32> to vector<128xf32>
      %broadcast_in_dim3A_315 = vector.shape_cast %reduce_min3A_314 : vector<128xf32> to vector<1x128xf32>
      %swap3A_316 = arith.index_cast %scan3A_296 : i32 to index
      %swap3A_317 = arith.constant 0 : index
      %swap3A_318 = arith.constant 0 : index
      %swap3A_319 = vector.load %arg13[%swap3A_316, %swap3A_317, %swap3A_318] : memref<50x1x128xf32, #tpu.memory_space<vmem>>, vector<1x1x128xf32>
      %swap3A_320 = vector.shape_cast %swap3A_319 : vector<1x1x128xf32> to vector<1x128xf32>
      %swap3A_321 = vector.shape_cast %broadcast_in_dim3A_315 : vector<1x128xf32> to vector<1x1x128xf32>
      tpu.vector_store %arg13[%swap3A_316, %swap3A_317, %swap3A_318], %swap3A_321 {strides = array<i32>} : memref<50x1x128xf32, #tpu.memory_space<vmem>>, vector<1x1x128xf32>,
      %scan3A_322 = arith.constant 3 : i32
      %scan3A_323 = arith.addi %scan3A_242, %scan3A_322 : i32
      %get3A_324 = arith.index_cast %scan3A_323 : i32 to index
      %get3A_325 = arith.constant 0 : index
      %get3A_326 = arith.constant 0 : index
      %get3A_327 = vector.load %arg11[%get3A_324, %get3A_325, %get3A_326] : memref<50x160x128xf32, #tpu.memory_space<vmem>>, vector<1x160x128xf32>
      %get3A_328 = vector.shape_cast %get3A_327 : vector<1x160x128xf32> to vector<160x128xf32>
      %get3A_329 = arith.index_cast %scan3A_323 : i32 to index
      %get3A_330 = arith.constant 0 : index
      %get3A_331 = arith.constant 0 : index
      %get3A_332 = vector.load %arg12[%get3A_329, %get3A_330, %get3A_331] : memref<50x1x128xf32, #tpu.memory_space<vmem>>, vector<1x1x128xf32>
      %get3A_333 = vector.shape_cast %get3A_332 : vector<1x1x128xf32> to vector<1x128xf32>
      %broadcast_in_dim3A_334 = vector.shape_cast %get3A_333 : vector<1x128xf32> to vector<1x128xf32>
      %broadcast_in_dim3A_335 = vector.broadcast %broadcast_in_dim3A_334 : vector<1x128xf32> to vector<160x128xf32>
      %eq3A_336 = arith.cmpf oeq, %get3A_328, %broadcast_in_dim3A_335 : vector<160x128xf32>
      %jit3A_337 = arith.constant 3.000000e+07 : f32
      %broadcast_in_dim3A_338 = vector.broadcast %jit3A_337 : f32 to vector<160x128xf32>
      %select_n3A_339 = arith.select %eq3A_336, %convert_element_type3A, %broadcast_in_dim3A_338 : vector<160x128xi1>, vector<160x128xf32>
      %reduce_min3A_340 = arith.constant dense<0x7F800000> : vector<128xf32>
      %reduce_min3A_341 = vector.multi_reduction <minimumf>, %select_n3A_339, %reduce_min3A_340 [0] : vector<160x128xf32> to vector<128xf32>
      %broadcast_in_dim3A_342 = vector.shape_cast %reduce_min3A_341 : vector<128xf32> to vector<1x128xf32>
      %swap3A_343 = arith.index_cast %scan3A_323 : i32 to index
      %swap3A_344 = arith.constant 0 : index
      %swap3A_345 = arith.constant 0 : index
      %swap3A_346 = vector.load %arg13[%swap3A_343, %swap3A_344, %swap3A_345] : memref<50x1x128xf32, #tpu.memory_space<vmem>>, vector<1x1x128xf32>
      %swap3A_347 = vector.shape_cast %swap3A_346 : vector<1x1x128xf32> to vector<1x128xf32>
      %swap3A_348 = vector.shape_cast %broadcast_in_dim3A_342 : vector<1x128xf32> to vector<1x1x128xf32>
      tpu.vector_store %arg13[%swap3A_343, %swap3A_344, %swap3A_345], %swap3A_348 {strides = array<i32>} : memref<50x1x128xf32, #tpu.memory_space<vmem>>, vector<1x1x128xf32>,
      %scan3A_349 = arith.constant 4 : i32
      %scan3A_350 = arith.addi %scan3A_242, %scan3A_349 : i32
      %get3A_351 = arith.index_cast %scan3A_350 : i32 to index
      %get3A_352 = arith.constant 0 : index
      %get3A_353 = arith.constant 0 : index
      %get3A_354 = vector.load %arg11[%get3A_351, %get3A_352, %get3A_353] : memref<50x160x128xf32, #tpu.memory_space<vmem>>, vector<1x160x128xf32>
      %get3A_355 = vector.shape_cast %get3A_354 : vector<1x160x128xf32> to vector<160x128xf32>
      %get3A_356 = arith.index_cast %scan3A_350 : i32 to index
      %get3A_357 = arith.constant 0 : index
      %get3A_358 = arith.constant 0 : index
      %get3A_359 = vector.load %arg12[%get3A_356, %get3A_357, %get3A_358] : memref<50x1x128xf32, #tpu.memory_space<vmem>>, vector<1x1x128xf32>
      %get3A_360 = vector.shape_cast %get3A_359 : vector<1x1x128xf32> to vector<1x128xf32>
      %broadcast_in_dim3A_361 = vector.shape_cast %get3A_360 : vector<1x128xf32> to vector<1x128xf32>
      %broadcast_in_dim3A_362 = vector.broadcast %broadcast_in_dim3A_361 : vector<1x128xf32> to vector<160x128xf32>
      %eq3A_363 = arith.cmpf oeq, %get3A_355, %broadcast_in_dim3A_362 : vector<160x128xf32>
      %jit3A_364 = arith.constant 3.000000e+07 : f32
      %broadcast_in_dim3A_365 = vector.broadcast %jit3A_364 : f32 to vector<160x128xf32>
      %select_n3A_366 = arith.select %eq3A_363, %convert_element_type3A, %broadcast_in_dim3A_365 : vector<160x128xi1>, vector<160x128xf32>
      %reduce_min3A_367 = arith.constant dense<0x7F800000> : vector<128xf32>
      %reduce_min3A_368 = vector.multi_reduction <minimumf>, %select_n3A_366, %reduce_min3A_367 [0] : vector<160x128xf32> to vector<128xf32>
      %broadcast_in_dim3A_369 = vector.shape_cast %reduce_min3A_368 : vector<128xf32> to vector<1x128xf32>
      %swap3A_370 = arith.index_cast %scan3A_350 : i32 to index
      %swap3A_371 = arith.constant 0 : index
      %swap3A_372 = arith.constant 0 : index
      %swap3A_373 = vector.load %arg13[%swap3A_370, %swap3A_371, %swap3A_372] : memref<50x1x128xf32, #tpu.memory_space<vmem>>, vector<1x1x128xf32>
      %swap3A_374 = vector.shape_cast %swap3A_373 : vector<1x1x128xf32> to vector<1x128xf32>
      %swap3A_375 = vector.shape_cast %broadcast_in_dim3A_369 : vector<1x128xf32> to vector<1x1x128xf32>
      tpu.vector_store %arg13[%swap3A_370, %swap3A_371, %swap3A_372], %swap3A_375 {strides = array<i32>} : memref<50x1x128xf32, #tpu.memory_space<vmem>>, vector<1x1x128xf32>,
    }
    %scan3A_55 = arith.constant 50 : i32
    %get3A_56 = arith.constant 0 : index
    %get3A_57 = arith.constant 0 : index
    %get3A_58 = arith.constant 0 : index
    %get3A_59 = vector.load %arg13[%get3A_56, %get3A_57, %get3A_58] : memref<50x1x128xf32, #tpu.memory_space<vmem>>, vector<50x1x128xf32>
    %reduce_min3A = arith.constant dense<0x7F800000> : vector<50x1xf32>
    %reduce_min3A_60 = vector.multi_reduction <minimumf>, %get3A_59, %reduce_min3A [2] : vector<50x1x128xf32> to vector<50x1xf32>
    %broadcast_in_dim3A_61 = vector.shape_cast %reduce_min3A_60 : vector<50x1xf32> to vector<50x1x1xf32>
    %broadcast_in_dim3A_62 = vector.shape_cast %broadcast_in_dim3A_61 : vector<50x1x1xf32> to vector<50x1x1xf32>
    %broadcast_in_dim3A_63 = vector.broadcast %broadcast_in_dim3A_62 : vector<50x1x1xf32> to vector<50x1x128xf32>
    %reshape3A = vector.shape_cast %broadcast_in_dim3A_63 : vector<50x1x128xf32> to vector<50x128xf32>
    %iota3A_64 = tpu.iota {dimensions = array<i32: 0>} : vector<50x128xi32>
    %iota3A_65 = tpu.iota {dimensions = array<i32: 1>} : vector<50x128xi32>
    %eq3A = arith.cmpi eq, %iota3A_64, %iota3A_65 : vector<50x128xi32>
    %jit3A = arith.constant 0.000000e+00 : f32
    %broadcast_in_dim3A_66 = vector.broadcast %jit3A : f32 to vector<50x128xf32>
    %select_n3A = arith.select %eq3A, %reshape3A, %broadcast_in_dim3A_66 : vector<50x128xi1>, vector<50x128xf32>
    %reduce_sum3A = arith.constant dense<0.000000e+00> : vector<128xf32>
    %reduce_sum3A_67 = vector.multi_reduction <add>, %select_n3A, %reduce_sum3A [0] : vector<50x128xf32> to vector<128xf32>
    %broadcast_in_dim3A_68 = vector.shape_cast %reduce_sum3A_67 : vector<128xf32> to vector<1x128xf32>
    %iota3A_69 = tpu.iota {dimensions = array<i32: 1>} : vector<1x128xi32>
    %lt3A_70 = arith.constant 50 : i32
    %lt3A_71 = vector.broadcast %lt3A_70 : i32 to vector<1x128xi32>
    %lt3A_72 = arith.cmpi slt, %iota3A_69, %lt3A_71 : vector<1x128xi32>
    %jit3A_73 = arith.constant -1.000000e+00 : f32
    %broadcast_in_dim3A_74 = vector.broadcast %jit3A_73 : f32 to vector<1x128xf32>
    %select_n3A_75 = arith.select %lt3A_72, %broadcast_in_dim3A_68, %broadcast_in_dim3A_74 : vector<1x128xi1>, vector<1x128xf32>
    %swap3A_76 = arith.constant 0 : index
    %swap3A_77 = arith.constant 0 : index
    %swap3A_78 = vector.load %arg10[%swap3A_76, %swap3A_77] : memref<8x128xf32, #tpu.memory_space<vmem>>, vector<1x128xf32>
    tpu.vector_store %arg10[%swap3A_76, %swap3A_77], %select_n3A_75 {strides = array<i32>} : memref<8x128xf32, #tpu.memory_space<vmem>>, vector<1x128xf32>,
    %gt3A = arith.constant 5.000000e-01 : f32
    %gt3A_79 = vector.broadcast %gt3A : f32 to vector<160x128xf32>
    %gt3A_80 = arith.cmpf ogt, %scan3A_38#0, %gt3A_79 : vector<160x128xf32>
    %and3A = arith.andi %lt3A_25, %gt3A_80 : vector<160x128xi1>
    %convert_element_type3A_81 = arith.extui %and3A : vector<160x128xi1> to vector<160x128xi32>
    %convert_element_type3A_82 = arith.sitofp %convert_element_type3A_81 : vector<160x128xi32> to vector<160x128xf32>
    %lt3A_83 = arith.constant 3.000000e-01 : f32
    %lt3A_84 = vector.broadcast %lt3A_83 : f32 to vector<160x128xf32>
    %lt3A_85 = arith.cmpf olt, %scan3A_38#0, %lt3A_84 : vector<160x128xf32>
    %and3A_86 = arith.andi %lt3A_25, %lt3A_85 : vector<160x128xi1>
    %convert_element_type3A_87 = arith.extui %and3A_86 : vector<160x128xi1> to vector<160x128xi32>
    %convert_element_type3A_88 = arith.sitofp %convert_element_type3A_87 : vector<160x128xi32> to vector<160x128xf32>
    %get3A_89 = arith.constant 0 : index
    %get3A_90 = arith.constant 0 : index
    %get3A_91 = arith.constant 0 : index
    %get3A_92 = vector.load %arg1[%get3A_89, %get3A_90, %get3A_91] : memref<2x160x128xf32, #tpu.memory_space<vmem>>, vector<1x160x128xf32>
    %get3A_93 = vector.shape_cast %get3A_92 : vector<1x160x128xf32> to vector<160x128xf32>
    %get3A_94 = arith.constant 1 : index
    %get3A_95 = arith.constant 0 : index
    %get3A_96 = arith.constant 0 : index
    %get3A_97 = vector.load %arg1[%get3A_94, %get3A_95, %get3A_96] : memref<2x160x128xf32, #tpu.memory_space<vmem>>, vector<1x160x128xf32>
    %get3A_98 = vector.shape_cast %get3A_97 : vector<1x160x128xf32> to vector<160x128xf32>
    %max3A = arith.maximumf %get3A_93, %get3A_98 : vector<160x128xf32>
    %sub3A_99 = arith.subf %get3A_93, %max3A : vector<160x128xf32>
    %exp3A = math.exp %sub3A_99 : vector<160x128xf32>
    %sub3A_100 = arith.subf %get3A_98, %max3A : vector<160x128xf32>
    %exp3A_101 = math.exp %sub3A_100 : vector<160x128xf32>
    %add3A_102 = arith.addf %exp3A, %exp3A_101 : vector<160x128xf32>
    %log3A = math.log %add3A_102 : vector<160x128xf32>
    %add3A_103 = arith.addf %max3A, %log3A : vector<160x128xf32>
    %sub3A_104 = arith.subf %get3A_93, %add3A_103 : vector<160x128xf32>
    %sub3A_105 = arith.subf %get3A_98, %add3A_103 : vector<160x128xf32>
    %max3A_106 = arith.maximumf %get3A_3, %get3A_8 : vector<160x128xf32>
    %max3A_107 = arith.maximumf %get3A_13, %get3A_18 : vector<160x128xf32>
    %max3A_108 = arith.maximumf %max3A_106, %max3A_107 : vector<160x128xf32>
    %sub3A_109 = arith.subf %get3A_3, %max3A_108 : vector<160x128xf32>
    %exp3A_110 = math.exp %sub3A_109 : vector<160x128xf32>
    %sub3A_111 = arith.subf %get3A_8, %max3A_108 : vector<160x128xf32>
    %exp3A_112 = math.exp %sub3A_111 : vector<160x128xf32>
    %add3A_113 = arith.addf %exp3A_110, %exp3A_112 : vector<160x128xf32>
    %sub3A_114 = arith.subf %get3A_13, %max3A_108 : vector<160x128xf32>
    %exp3A_115 = math.exp %sub3A_114 : vector<160x128xf32>
    %add3A_116 = arith.addf %add3A_113, %exp3A_115 : vector<160x128xf32>
    %sub3A_117 = arith.subf %get3A_18, %max3A_108 : vector<160x128xf32>
    %exp3A_118 = math.exp %sub3A_117 : vector<160x128xf32>
    %add3A_119 = arith.addf %add3A_116, %exp3A_118 : vector<160x128xf32>
    %log3A_120 = math.log %add3A_119 : vector<160x128xf32>
    %add3A_121 = arith.addf %max3A_108, %log3A_120 : vector<160x128xf32>
    %sub3A_122 = arith.subf %get3A_3, %add3A_121 : vector<160x128xf32>
    %sub3A_123 = arith.subf %get3A_13, %get3A_3 : vector<160x128xf32>
    %sub3A_124 = arith.subf %get3A_18, %get3A_8 : vector<160x128xf32>
    %mul3A_125 = arith.constant 5.000000e-01 : f32
    %mul3A_126 = vector.broadcast %mul3A_125 : f32 to vector<160x128xf32>
    %mul3A_127 = arith.mulf %sub3A_123, %mul3A_126 : vector<160x128xf32>
    %add3A_128 = arith.addf %get3A_3, %mul3A_127 : vector<160x128xf32>
    %mul3A_129 = arith.constant 5.000000e-01 : f32
    %mul3A_130 = vector.broadcast %mul3A_129 : f32 to vector<160x128xf32>
    %mul3A_131 = arith.mulf %sub3A_124, %mul3A_130 : vector<160x128xf32>
    %add3A_132 = arith.addf %get3A_8, %mul3A_131 : vector<160x128xf32>
    %sub3A_133 = arith.subf %scan3A_38#3, %scan3A_38#1 : vector<160x128xf32>
    %sub3A_134 = arith.subf %scan3A_38#4, %scan3A_38#2 : vector<160x128xf32>
    %mul3A_135 = arith.constant 5.000000e-01 : f32
    %mul3A_136 = vector.broadcast %mul3A_135 : f32 to vector<160x128xf32>
    %mul3A_137 = arith.mulf %sub3A_133, %mul3A_136 : vector<160x128xf32>
    %add3A_138 = arith.addf %scan3A_38#1, %mul3A_137 : vector<160x128xf32>
    %mul3A_139 = arith.constant 5.000000e-01 : f32
    %mul3A_140 = vector.broadcast %mul3A_139 : f32 to vector<160x128xf32>
    %mul3A_141 = arith.mulf %sub3A_134, %mul3A_140 : vector<160x128xf32>
    %add3A_142 = arith.addf %scan3A_38#2, %mul3A_141 : vector<160x128xf32>
    %sub3A_143 = arith.subf %add3A_138, %add3A_128 : vector<160x128xf32>
    %div3A = arith.divf %sub3A_143, %sub3A_123 : vector<160x128xf32>
    %sub3A_144 = arith.subf %add3A_142, %add3A_132 : vector<160x128xf32>
    %div3A_145 = arith.divf %sub3A_144, %sub3A_124 : vector<160x128xf32>
    %div3A_146 = arith.divf %sub3A_133, %sub3A_123 : vector<160x128xf32>
    %log3A_147 = math.log %div3A_146 : vector<160x128xf32>
    %div3A_148 = arith.divf %sub3A_134, %sub3A_124 : vector<160x128xf32>
    %log3A_149 = math.log %div3A_148 : vector<160x128xf32>
    %get3A_150 = arith.constant 0 : index
    %get3A_151 = arith.constant 0 : index
    %get3A_152 = arith.constant 0 : index
    %get3A_153 = vector.load %arg2[%get3A_150, %get3A_151, %get3A_152] : memref<4x160x128xf32, #tpu.memory_space<vmem>>, vector<1x160x128xf32>
    %get3A_154 = vector.shape_cast %get3A_153 : vector<1x160x128xf32> to vector<160x128xf32>
    %sub3A_155 = arith.subf %get3A_154, %div3A : vector<160x128xf32>
    %abs3A = math.absf %sub3A_155 : vector<160x128xf32>
    %lt3A_156 = arith.constant 1.000000e+00 : f32
    %lt3A_157 = vector.broadcast %lt3A_156 : f32 to vector<160x128xf32>
    %lt3A_158 = arith.cmpf olt, %abs3A, %lt3A_157 : vector<160x128xf32>
    %mul3A_159 = arith.constant 5.000000e-01 : f32
    %mul3A_160 = vector.broadcast %mul3A_159 : f32 to vector<160x128xf32>
    %mul3A_161 = arith.mulf %mul3A_160, %sub3A_155 : vector<160x128xf32>
    %mul3A_162 = arith.mulf %mul3A_161, %sub3A_155 : vector<160x128xf32>
    %sub3A_163 = arith.constant 5.000000e-01 : f32
    %sub3A_164 = vector.broadcast %sub3A_163 : f32 to vector<160x128xf32>
    %sub3A_165 = arith.subf %abs3A, %sub3A_164 : vector<160x128xf32>
    %select_n3A_166 = arith.select %lt3A_158, %mul3A_162, %sub3A_165 : vector<160x128xi1>, vector<160x128xf32>
    %get3A_167 = arith.constant 1 : index
    %get3A_168 = arith.constant 0 : index
    %get3A_169 = arith.constant 0 : index
    %get3A_170 = vector.load %arg2[%get3A_167, %get3A_168, %get3A_169] : memref<4x160x128xf32, #tpu.memory_space<vmem>>, vector<1x160x128xf32>
    %get3A_171 = vector.shape_cast %get3A_170 : vector<1x160x128xf32> to vector<160x128xf32>
    %sub3A_172 = arith.subf %get3A_171, %div3A_145 : vector<160x128xf32>
    %abs3A_173 = math.absf %sub3A_172 : vector<160x128xf32>
    %lt3A_174 = arith.constant 1.000000e+00 : f32
    %lt3A_175 = vector.broadcast %lt3A_174 : f32 to vector<160x128xf32>
    %lt3A_176 = arith.cmpf olt, %abs3A_173, %lt3A_175 : vector<160x128xf32>
    %mul3A_177 = arith.constant 5.000000e-01 : f32
    %mul3A_178 = vector.broadcast %mul3A_177 : f32 to vector<160x128xf32>
    %mul3A_179 = arith.mulf %mul3A_178, %sub3A_172 : vector<160x128xf32>
    %mul3A_180 = arith.mulf %mul3A_179, %sub3A_172 : vector<160x128xf32>
    %sub3A_181 = arith.constant 5.000000e-01 : f32
    %sub3A_182 = vector.broadcast %sub3A_181 : f32 to vector<160x128xf32>
    %sub3A_183 = arith.subf %abs3A_173, %sub3A_182 : vector<160x128xf32>
    %select_n3A_184 = arith.select %lt3A_176, %mul3A_180, %sub3A_183 : vector<160x128xi1>, vector<160x128xf32>
    %add3A_185 = arith.addf %select_n3A_166, %select_n3A_184 : vector<160x128xf32>
    %get3A_186 = arith.constant 2 : index
    %get3A_187 = arith.constant 0 : index
    %get3A_188 = arith.constant 0 : index
    %get3A_189 = vector.load %arg2[%get3A_186, %get3A_187, %get3A_188] : memref<4x160x128xf32, #tpu.memory_space<vmem>>, vector<1x160x128xf32>
    %get3A_190 = vector.shape_cast %get3A_189 : vector<1x160x128xf32> to vector<160x128xf32>
    %sub3A_191 = arith.subf %get3A_190, %log3A_147 : vector<160x128xf32>
    %abs3A_192 = math.absf %sub3A_191 : vector<160x128xf32>
    %lt3A_193 = arith.constant 1.000000e+00 : f32
    %lt3A_194 = vector.broadcast %lt3A_193 : f32 to vector<160x128xf32>
    %lt3A_195 = arith.cmpf olt, %abs3A_192, %lt3A_194 : vector<160x128xf32>
    %mul3A_196 = arith.constant 5.000000e-01 : f32
    %mul3A_197 = vector.broadcast %mul3A_196 : f32 to vector<160x128xf32>
    %mul3A_198 = arith.mulf %mul3A_197, %sub3A_191 : vector<160x128xf32>
    %mul3A_199 = arith.mulf %mul3A_198, %sub3A_191 : vector<160x128xf32>
    %sub3A_200 = arith.constant 5.000000e-01 : f32
    %sub3A_201 = vector.broadcast %sub3A_200 : f32 to vector<160x128xf32>
    %sub3A_202 = arith.subf %abs3A_192, %sub3A_201 : vector<160x128xf32>
    %select_n3A_203 = arith.select %lt3A_195, %mul3A_199, %sub3A_202 : vector<160x128xi1>, vector<160x128xf32>
    %add3A_204 = arith.addf %add3A_185, %select_n3A_203 : vector<160x128xf32>
    %get3A_205 = arith.constant 3 : index
    %get3A_206 = arith.constant 0 : index
    %get3A_207 = arith.constant 0 : index
    %get3A_208 = vector.load %arg2[%get3A_205, %get3A_206, %get3A_207] : memref<4x160x128xf32, #tpu.memory_space<vmem>>, vector<1x160x128xf32>
    %get3A_209 = vector.shape_cast %get3A_208 : vector<1x160x128xf32> to vector<160x128xf32>
    %sub3A_210 = arith.subf %get3A_209, %log3A_149 : vector<160x128xf32>
    %abs3A_211 = math.absf %sub3A_210 : vector<160x128xf32>
    %lt3A_212 = arith.constant 1.000000e+00 : f32
    %lt3A_213 = vector.broadcast %lt3A_212 : f32 to vector<160x128xf32>
    %lt3A_214 = arith.cmpf olt, %abs3A_211, %lt3A_213 : vector<160x128xf32>
    %mul3A_215 = arith.constant 5.000000e-01 : f32
    %mul3A_216 = vector.broadcast %mul3A_215 : f32 to vector<160x128xf32>
    %mul3A_217 = arith.mulf %mul3A_216, %sub3A_210 : vector<160x128xf32>
    %mul3A_218 = arith.mulf %mul3A_217, %sub3A_210 : vector<160x128xf32>
    %sub3A_219 = arith.constant 5.000000e-01 : f32
    %sub3A_220 = vector.broadcast %sub3A_219 : f32 to vector<160x128xf32>
    %sub3A_221 = arith.subf %abs3A_211, %sub3A_220 : vector<160x128xf32>
    %select_n3A_222 = arith.select %lt3A_214, %mul3A_218, %sub3A_221 : vector<160x128xi1>, vector<160x128xf32>
    %add3A_223 = arith.addf %add3A_204, %select_n3A_222 : vector<160x128xf32>
    %swap3A_224 = arith.constant 0 : index
    %swap3A_225 = arith.constant 0 : index
    %swap3A_226 = vector.load %arg4[%swap3A_224, %swap3A_225] : memref<160x128xf32, #tpu.memory_space<vmem>>, vector<160x128xf32>
    tpu.vector_store %arg4[%swap3A_224, %swap3A_225], %convert_element_type3A_82 {strides = array<i32>} : memref<160x128xf32, #tpu.memory_space<vmem>>, vector<160x128xf32>,
    %swap3A_227 = arith.constant 0 : index
    %swap3A_228 = arith.constant 0 : index
    %swap3A_229 = vector.load %arg5[%swap3A_227, %swap3A_228] : memref<160x128xf32, #tpu.memory_space<vmem>>, vector<160x128xf32>
    tpu.vector_store %arg5[%swap3A_227, %swap3A_228], %convert_element_type3A_88 {strides = array<i32>} : memref<160x128xf32, #tpu.memory_space<vmem>>, vector<160x128xf32>,
    %swap3A_230 = arith.constant 0 : index
    %swap3A_231 = arith.constant 0 : index
    %swap3A_232 = vector.load %arg6[%swap3A_230, %swap3A_231] : memref<160x128xf32, #tpu.memory_space<vmem>>, vector<160x128xf32>
    tpu.vector_store %arg6[%swap3A_230, %swap3A_231], %sub3A_104 {strides = array<i32>} : memref<160x128xf32, #tpu.memory_space<vmem>>, vector<160x128xf32>,
    %swap3A_233 = arith.constant 0 : index
    %swap3A_234 = arith.constant 0 : index
    %swap3A_235 = vector.load %arg7[%swap3A_233, %swap3A_234] : memref<160x128xf32, #tpu.memory_space<vmem>>, vector<160x128xf32>
    tpu.vector_store %arg7[%swap3A_233, %swap3A_234], %sub3A_122 {strides = array<i32>} : memref<160x128xf32, #tpu.memory_space<vmem>>, vector<160x128xf32>,
    %swap3A_236 = arith.constant 0 : index
    %swap3A_237 = arith.constant 0 : index
    %swap3A_238 = vector.load %arg8[%swap3A_236, %swap3A_237] : memref<160x128xf32, #tpu.memory_space<vmem>>, vector<160x128xf32>
    tpu.vector_store %arg8[%swap3A_236, %swap3A_237], %add3A_223 {strides = array<i32>} : memref<160x128xf32, #tpu.memory_space<vmem>>, vector<160x128xf32>,
    %swap3A_239 = arith.constant 0 : index
    %swap3A_240 = arith.constant 0 : index
    %swap3A_241 = vector.load %arg9[%swap3A_239, %swap3A_240] : memref<160x128xf32, #tpu.memory_space<vmem>>, vector<160x128xf32>
    tpu.vector_store %arg9[%swap3A_239, %swap3A_240], %sub3A_105 {strides = array<i32>} : memref<160x128xf32, #tpu.memory_space<vmem>>, vector<160x128xf32>,
    return
  }
}

</mosaic_0001>

<sc_bundles>
// kernel: kernel.4.cloned.1.call-start
scs
__scs_entry_jumppad:
0x0: {  	(pc) =	sbr.rel $0x88, $3  }
0x1: {  	(tag) =	ssettag $0x0;
	lr =	simm.s32 $0x1  }
0x2: {  	[smem:$0x3F9D] =	sst lr;
	_ =	strace $0xD0000000  }
0x3: {  	_ = 	snop  }
0x4: {  	_ = 	snop  }
0x5: {  	_ = 	snop  }
0x6: {  	_ = 	snop  }
0x7: {  	_ = 	snop  }
__scs_overlays_trampoline_lowered:
0x8: {  	[smem:$0x3FAC] =	sst s0  }
0x9: {  	[smem:$0x3FAD] =	sst s1  }
0xa: {  	[smem:$0x3FAE] =	sst s2  }
0xb: {  	[smem:$0x3FAF] =	sst s3  }
0xc: {  	[smem:$0x3FB0] =	sst s4  }
0xd: {  	[smem:$0x3FB1] =	sst s5  }
0xe: {  	[smem:$0x3FB2] =	sst s6  }
0xf: {  	[smem:$0x3FB3] =	sst s7  }
0x10: {  	[smem:$0x3FB4] =	sst s8  }
0x11: {  	[smem:$0x3FB5] =	sst s9;
	s0 =	simm.s32 @!p0 $0x0  }
0x12: {  	s1 =	sld [smem:$0x3F9B];
	s0 =	simm.s32 @p0 $0x1  }
0x13: {  	[smem:$0x3FB6] =	sst s0;
	s0 =	simm.s32 @!p1 $0x0  }
0x14: {  	s2 =	sld [smem:$0x3F9A];
	s0 =	simm.s32 @p1 $0x1  }
0x15: {  	[smem:$0x3FB7] =	sst s0;
	s0 =	simm.s32 @!p2 $0x0  }
0x16: {  	s3 =	sld [smem:$0x3FDB];
	s0 =	simm.s32 @p2 $0x1  }
0x17: {  	s4 =	simm.s32 $0x1BF5;
	[smem:$0x3FB9] =	sst s0  }
0x18: {  	s0 =	sld [smem:$0x3F9C];
	_ =	swait.ge [sflag:s4], $0x0  }
0x19: {  	s7 =	sld [smem:$0x3F9D]  }
0x1a: {  	s8 =	sadd.s32 $0xFFFFE003, lr  }
0x1b: {  	s9 =	sadd.s32 $0xFFFFFEF7, lr;
	s5 =	simm.s32 $0xFFFFFFFF;
	p2 =	slt.u32 s8, $0xFFFFF086  }
0x1c: {  	p1 =	slt.u32 s9, $0xF7A;
	s5 =	simm.s32 @!p2 $0x0  }
0x1d: {  	s5 =	simm.s32 @p1 $0x1;
	p0 =	seq.s32 s7, s2  }
0x1e: {  	s7 =	smul.u32 @!p0 $0xF7A, s2;
	p2 =	seq.s32 @!p0 s5, $0x0  }
0x1f: {  	s9 =	smul.u32 $0xF7A, s1;
	s8 =	simm.s32 @!p0 $0x1BF5;
	p2 =	por !p2, p0  }
0x20: {  	[sflag:s8] =	ssyncset.s32 @!p0 $0xFFFFF086;
	s6 =	sadd.s32 @!p0 s3, s7;
	s7 =	simm.s32 @!p0 $0x108  }
0x21: {  	s3 =	sadd.s32 s3, s9;
	s6 =	sadd.s32 @!p0 $0x88, s6;
	s7 =	simm.s32 @p2 $0x1082  }
0x22: {  	[simem:s7], [sflag:s8] =	dma.local @!p0 [hbm:s6], $0xF7A  }
0x23: {  	s9 =	sor.u32 $0xD0000000, s2;
	s6 =	simm.s32 $0x108;
	_ =	swait.ge @!p0 [sflag:s8], $0x0  }
0x24: {  	s3 =	sadd.s32 $0x88, s3;
	s6 =	simm.s32 @!p1 $0x1082;
	[sflag:s4] =	ssyncset.s32 $0xFFFFF086  }
0x25: {  	[simem:s6], [sflag:s4] =	dma.local [hbm:s3], $0xF7A  }
0x26: {  	[smem:$0x3F9D] =	sst s1;
	(tag) =	ssettag s2;
	_ =	strace s9  }
0x27: {  	s1 =	sld [smem:$0x3FAD]  }
0x28: {  	s2 =	sld [smem:$0x3FAE]  }
0x29: {  	s4 =	sld [smem:$0x3FB0]  }
0x2a: {  	p0 =	seq.s32 s5, $0x0;
	s5 =	sld [smem:$0x3FB1]  }
0x2b: {  	s6 =	sld [smem:$0x3FB2]  }
0x2c: {  	s7 =	sld [smem:$0x3FB3]  }
0x2d: {  	s3 =	simm.s32 $0x108;
	s8 =	sld [smem:$0x3FB4]  }
0x2e: {  	s3 =	simm.s32 @!p0 $0x1082;
	s9 =	sld [smem:$0x3FB5]  }
0x2f: {  	lr =	sadd.s32 s0, s3;
	s0 =	sld [smem:$0x3FAC]  }
0x30: {  	s3 =	sld [smem:$0x3FAF]  }
0x31: {  	[smem:$0x3FB8] =	sst s10  }
0x32: {  	s10 =	sld [smem:$0x3FB6];
	_ =	sdelay $0x3  }
0x33: {  	p0 =	seq.s32 s10, $0x1;
	s10 =	sld [smem:$0x3FB8];
	_ =	sdelay $0x3  }
0x34: {  	[smem:$0x3FB8] =	sst s10  }
0x35: {  	s10 =	sld [smem:$0x3FB7];
	_ =	sdelay $0x3  }
0x36: {  	p1 =	seq.s32 s10, $0x1;
	s10 =	sld [smem:$0x3FB8];
	_ =	sdelay $0x3  }
0x37: {  	[smem:$0x3FB8] =	sst s10  }
0x38: {  	s10 =	sld [smem:$0x3FB9]  }
0x39: {  	_ = 	snop;
	(pc) =	sbr.ind lr, $3  }
0x3a: {  	_ = 	snop  }
0x3b: {  	_ = 	snop  }
0x3c: {  	p2 =	seq.s32 s10, $0x1;
	s10 =	sld [smem:$0x3FB8]  }
0x3d: {  	_ =	shalt  }
0x3e: {  	_ =	shalt  }
0x3f: {  	_ =	shalt  }
0x40: {  	_ =	shalt  }
0x41: {  	_ =	shalt  }
0x42: {  	_ =	shalt  }
0x43: {  	_ =	shalt  }
0x44: {  	_ =	shalt  }
0x45: {  	_ =	shalt  }
0x46: {  	_ =	shalt  }
0x47: {  	_ =	shalt  }
0x48: {  	_ =	shalt  }
0x49: {  	_ =	shalt  }
0x4a: {  	_ =	shalt  }
0x4b: {  	_ =	shalt  }
0x4c: {  	_ =	shalt  }
0x4d: {  	_ =	shalt  }
0x4e: {  	_ =	shalt  }
0x4f: {  	_ =	shalt  }
0x50: {  	_ =	shalt  }
0x51: {  	_ =	shalt  }
0x52: {  	_ =	shalt  }
0x53: {  	_ =	shalt  }
0x54: {  	_ =	shalt  }
0x55: {  	_ =	shalt  }
0x56: {  	_ =	shalt  }
0x57: {  	_ =	shalt  }
0x58: {  	_ =	shalt  }
0x59: {  	_ =	shalt  }
0x5a: {  	_ =	shalt  }
0x5b: {  	_ =	shalt  }
0x5c: {  	_ =	shalt  }
0x5d: {  	_ =	shalt  }
0x5e: {  	_ =	shalt  }
0x5f: {  	_ =	shalt  }
0x60: {  	_ =	shalt  }
0x61: {  	_ =	shalt  }
0x62: {  	_ =	shalt  }
0x63: {  	_ =	shalt  }
0x64: {  	_ =	shalt  }
0x65: {  	_ =	shalt  }
0x66: {  	_ =	shalt  }
0x67: {  	_ =	shalt  }
0x68: {  	_ =	shalt  }
0x69: {  	_ =	shalt  }
0x6a: {  	_ =	shalt  }
0x6b: {  	_ =	shalt  }
0x6c: {  	_ =	shalt  }
0x6d: {  	_ =	shalt  }
0x6e: {  	_ =	shalt  }
0x6f: {  	_ =	shalt  }
0x70: {  	_ =	shalt  }
0x71: {  	_ =	shalt  }
0x72: {  	_ =	shalt  }
0x73: {  	_ =	shalt  }
0x74: {  	_ =	shalt  }
0x75: {  	_ =	shalt  }
0x76: {  	_ =	shalt  }
0x77: {  	_ =	shalt  }
0x78: {  	_ =	shalt  }
0x79: {  	_ =	shalt  }
0x7a: {  	_ =	shalt  }
0x7b: {  	_ =	shalt  }
0x7c: {  	_ =	shalt  }
0x7d: {  	_ =	shalt  }
0x7e: {  	_ =	shalt  }
0x7f: {  	_ =	shalt  }
0x80: {  	_ =	shalt  }
0x81: {  	_ =	shalt  }
0x82: {  	_ =	shalt  }
0x83: {  	_ =	shalt  }
0x84: {  	_ =	shalt  }
0x85: {  	_ =	shalt  }
0x86: {  	_ =	shalt  }
0x87: {  	_ =	shalt  }
.Lfunc_end0:
.L_simem_size_0:
called_computation_lowered:
.L_overlay_start_0:
0x88: {  	s0 =	sld [smem:$0x3FD9]  }
0x89: {  	s1 =	sld [smem:$0x3FFE];
	_ =	sdelay $0x3  }
0x8a: {  	s0 =	sadd.s32 s1, s0  }
0x8b: {  	[smem:$0x3FC4] =	sst s0  }
0x8c: {  	_ = 	snop  }
0x8d: {  	s0 =	sld [smem:$0x3FD0];
	(tm) =	ssettm $0x1  }
0x8e: {  	s16 =	sld [smem:$0x3FFB];
	_ =	sdelay $0x3  }
0x8f: {  	_ =	strace s16  }
0x90: {  	s1 =	sld [smem:$0x3FFC];
	_ =	sdelay $0x3  }
0x91: {  	_ =	strace s1  }
0x92: {  	s1 =	sld [smem:$0x3FFD];
	_ =	sdelay $0x3  }
0x93: {  	_ =	strace s1  }
0x94: {  	_ =	strace $0x8FFFFFFF  }
0x95: {  	s17 =	sld [smem:$0x3FDB];
	_ =	sdelay $0x1  }
0x96: {  	s2 =	simm.s32 $_scs_section_size  }
0x97: {  	s3 =	simm.s32 $_size__tile_overlayer_lowered;
	s4 =	simm.s32 $_tile_overlayer_lowered  }
0x98: {  	s20 =	simm.s32 $0x1BFF;
	s19 =	sshll.u32 s4, $0x1;
	s1 =	sadd.s32 s2, s17  }
0x99: {  	s5 =	simm.s32 $0x0;
	s18 =	sshll.u32 s3, $0x1;
	s3 =	sadd.s32 s19, s1  }
0x9a: {  	[timem:s5], [sflag:s20] =	dma.local [hbm:s3], s18  }
0x9b: {  	_ =	swait.ge [sflag:s20], s18  }
0x9c: {  	s2 =	ssub.s32 $0x0, s18;
	[sflag:s20] =	ssyncset.done $0x0  }
0x9d: {  	[sflag:s20] =	ssyncadd.s32 s2;
	_ =	sdelay $0x1  }
0x9e: {  	s21 =	simm.s32 $0x1B8B  }
0x9f: {  	_ =	swait.ge [sflag:s21], $0x1  }
0xa0: {  	[sflag:s21] =	ssyncset.done $0x0  }
0xa1: {  	s23 =	simm.s32 $0x1B8E;
	s22 =	sld [smem:$0x3FFE];
	[sflag:s21] =	ssyncadd.s32 $0xFFFFFFFF  }
0xa2: {  	s24 =	simm.s32 $execute0_lowered;
	[smem:$0x3FD2] =	sst s23  }
0xa3: {  	s3 =	sshll.u32 s24, $0x1;
	_ =	strace $0x80000046;
	[dreg:$0x1] =	wrdreg $0xFFFFFFFF  }
0xa4: {  	s25 =	simm.s32 $_size_execute0_lowered;
	s1 =	sadd.s32 s1, s3;
	[dreg:$0x0] =	wrdreg $0x0  }
0xa5: {  	s3 =	sshll.u32 s25, $0x1;
	[dreg:$0x2] =	wrdreg s1  }
0xa6: {  	[dreg:$0x3] =	wrdreg s3  }
0xa7: {  	[dreg:$0x4] =	wrdreg $0xC0  }
0xa8: {  	_ =	task [dreg:s5], $0x5FFFF  }
0xa9: {  	[dreg:$0x1] =	wrdreg $0xFFFFFFFF  }
0xaa: {  	[dreg:$0x0] =	wrdreg $0x60  }
0xab: {  	[dreg:$0x2] =	wrdreg s22  }
0xac: {  	[dreg:$0x3] =	wrdreg s0  }
0xad: {  	[dreg:$0x4] =	wrdreg $0x27800  }
0xae: {  	[dreg:$0x5] =	wrdreg $0x9  }
0xaf: {  	_ =	task.clear_ibuf [dreg:s5], $0x6FFFF;
	_ =	strace $0x90000046  }
0xb0: {  	s26 =	simm.s32 $0x9;
	_ =	strace $0x80000048  }
0xb1: {  	_ =	swait.ge [sflag:s26], $0x1  }
0xb2: {  	[sflag:s26] =	ssyncadd.s32 $0xFFFFFFFF  }
0xb3: {  	_ =	strace $0x90000048  }
0xb4: {  	_ =	sfence  }
0xb5: {  	s28 =	sld [smem:$0x0];
	_ =	sdelay $0x1  }
0xb6: {  	s29 =	srdreg.scid  }
0xb7: {  	s30 =	sshll.u32 s29, $0xD;
	s31 =	sshrl.u32 s29, $0x2  }
0xb8: {  	s2 =	sand.u32 $0x4000, s30;
	s1 =	sand.u32 $0x1, s29;
	s0 =	sadd.s32 s31, s28  }
0xb9: {  	s1 =	sor.u32 s2, s1;
	s0 =	sshll.u32 s0, $0x11  }
0xba: {  	s0 =	sor.u32 s0, s1  }
0xbb: {  	s0 =	sadd.s32 $0x8F2B, s0  }
0xbc: {  	[sflag:s0] =	ssyncadd.remote.s32 $0x1  }
0xbd: {  	_ =	sfence.sel $0xFFFF  }
0xbe: {  	[dreg:$0x0] =	wrdreg $0xFFFFFFFF;
	(pc) =	sbr.abs _section_cstart, $3  }
0xbf: {  	[dreg:$0x1] =	wrdreg $0xFFFFFFFF  }
0xc0: {  	_ =	task.clear_ibuf [dreg:s5], $0x2FFFF;
	_ =	strace $0x9FFFFFFF  }
0xc1: {  	(tm) =	ssettm $0x7FFFFFFF  }
tec
execute0_lowered:
.L_overlay_start_1:
0x0: {  	(tag) =	ssettag $0x1  }
0x1: {  	s3 =	stileid.u32  }
0x2: {  	s6 =	rddreg [dreg:$0x0];
	s7 =	smul.u32 $0x500, s3  }
0x3: {  	s1 =	rddreg [dreg:$0x1]  }
0x4: {  	s2 =	rddreg [dreg:$0x2];
	s4 =	simm.s32 $0x0;
	s5 =	sshrl.u32 s7, $0x3  }
0x5: {  	[smem:$0x7FF] =	sst s4;
	s8 =	sadd.s32 s5, s6  }
0x6: {  	s0 =	rddreg [dreg:$0x3];
	_ =	strace $0x80000047;
	s5 =	sadd.s32 $0x1C00, s8  }
0x7: {  	[tilespmem:s4], [sflag:$0x1] =	stream.linear.gather [hbm4b:s5+s4], $0x500, $0x38;
	[tilespmem:$0x2800] =	vst v63  }
0x8: {  	s21 =	simm.s32 $0x500;
	s9 =	sadd.s32 $0x2600, s8  }
0x9: {  	[tilespmem:s21], [sflag:$0x1] =	stream.linear.gather [hbm4b:s9+s4], $0x500, $0x38;
	[tilespmem:$0x2800] =	vst v63  }
0xa: {  	s10 =	simm.s32 $0xA00;
	s22 =	sadd.s32 $0x3000, s8  }
0xb: {  	[tilespmem:s10], [sflag:$0x1] =	stream.linear.gather [hbm4b:s22+s4], $0x500, $0x38;
	[tilespmem:$0x2800] =	vst v63  }
0xc: {  	s24 =	simm.s32 $0xF00;
	s23 =	sadd.s32 $0x3A00, s8  }
0xd: {  	[tilespmem:s24], [sflag:$0x1] =	stream.linear.gather [hbm4b:s23+s4], $0x500, $0x38;
	[tilespmem:$0x2800] =	vst v63  }
0xe: {  	s26 =	simm.s32 $0x1400;
	s25 =	sadd.s32 $0x4400, s8  }
0xf: {  	[tilespmem:s26], [sflag:$0x1] =	stream.linear.gather [hbm4b:s25+s4], $0x500, $0x38;
	[tilespmem:$0x2800] =	vst v63  }
0x10: {  	s28 =	simm.s32 $0x1900;
	s8 =	sadd.s32 $0x4E00, s8  }
0x11: {  	[tilespmem:s28], [sflag:$0x1] =	stream.linear.gather [hbm4b:s8+s4], $0x500, $0x38;
	[tilespmem:$0x2800] =	vst v63  }
0x12: {  	s29 =	simm.s32 $0x1E00;
	s30 =	simm.s32 $0x1;
	s6 =	sadd.s32 $0x5800, s6  }
0x13: {  	[tilespmem:s29], [sflag:$0x1] =	stream.linear.gather [hbm4b:s6+s4], $0x40, $0x38;
	[tilespmem:$0x2800] =	vst v63  }
0x14: {  	_ =	swait.ge [sflag:s30], $0x500  }
0x15: {  	[sflag:s30] =	ssyncset.done $0x0  }
0x16: {  	[sflag:s30] =	ssyncadd.s32 $0xFFFFFB00  }
0x17: {  	_ =	swait.ge [sflag:s30], $0x500  }
0x18: {  	[sflag:s30] =	ssyncset.done $0x0  }
0x19: {  	[sflag:s30] =	ssyncadd.s32 $0xFFFFFB00  }
0x1a: {  	_ =	swait.ge [sflag:s30], $0x500  }
0x1b: {  	[sflag:s30] =	ssyncset.done $0x0  }
0x1c: {  	[sflag:s30] =	ssyncadd.s32 $0xFFFFFB00  }
0x1d: {  	_ =	swait.ge [sflag:s30], $0x500  }
0x1e: {  	[sflag:s30] =	ssyncset.done $0x0  }
0x1f: {  	[sflag:s30] =	ssyncadd.s32 $0xFFFFFB00  }
0x20: {  	_ =	swait.ge [sflag:s30], $0x500  }
0x21: {  	[sflag:s30] =	ssyncset.done $0x0  }
0x22: {  	[sflag:s30] =	ssyncadd.s32 $0xFFFFFB00  }
0x23: {  	_ =	swait.ge [sflag:s30], $0x500  }
0x24: {  	[sflag:s30] =	ssyncset.done $0x0  }
0x25: {  	[sflag:s30] =	ssyncadd.s32 $0xFFFFFB00  }
0x26: {  	_ =	swait.ge [sflag:s30], $0x40  }
0x27: {  	[sflag:s30] =	ssyncset.done $0x0  }
0x28: {  	[sflag:s30] =	ssyncadd.s32 $0xFFFFFFC0  }
0x29: {  	v0 =	vld [tilespmem:$0x1E00];
	_ =	sdelay $0x4  }
0x2a: {  	v0 =	vtrunc.f32 v0  }
0x2b: {  	v0 =	vcvt.f32.s32 v0  }
0x2c: {  	v1 =	vmov s7  }
0x2d: {  	v0 =	vsub.s32 v0, v1  }
0x2e: {  	vm0 =	vlt.u32 v0, $0x500  }
0x2f: {  	v0 =	vnsel vm0, $0x0, v0;
	_ =	sdelay $0x3  }
0x30: {  	v2 =	vimm.f32 $1.000000000e+00  }
0x31: {  	v3 =	vimm.f32 $0.0e+00;
	[tilespmem:v0+s4+$0x0] =	vst.idx.msk vm0, v2  }
0x32: {  	[tilespmem:v0+s21+$0x0] =	vst.idx.msk vm0, v3  }
0x33: {  	v0 =	vld [tilespmem:$0x1E10];
	_ =	sdelay $0x4  }
0x34: {  	v0 =	vtrunc.f32 v0  }
0x35: {  	v0 =	vcvt.f32.s32 v0;
	_ =	sdelay $0x1  }
0x36: {  	v0 =	vsub.s32 v0, v1  }
0x37: {  	vm13 =	vlt.u32 v0, $0x500  }
0x38: {  	v0 =	vnsel vm13, $0x0, v0;
	_ =	sdelay $0x4  }
0x39: {  	[tilespmem:v0+s4+$0x0] =	vst.idx.msk vm13, v2  }
0x3a: {  	[tilespmem:v0+s21+$0x0] =	vst.idx.msk vm13, v3  }
0x3b: {  	v0 =	vld [tilespmem:$0x1E20];
	_ =	sdelay $0x4  }
0x3c: {  	v0 =	vtrunc.f32 v0  }
0x3d: {  	v0 =	vcvt.f32.s32 v0;
	_ =	sdelay $0x1  }
0x3e: {  	v0 =	vsub.s32 v0, v1  }
0x3f: {  	vm14 =	vlt.u32 v0, $0x500  }
0x40: {  	v0 =	vnsel vm14, $0x0, v0;
	_ =	sdelay $0x4  }
0x41: {  	[tilespmem:v0+s4+$0x0] =	vst.idx.msk vm14, v2  }
0x42: {  	[tilespmem:v0+s21+$0x0] =	vst.idx.msk vm14, v3  }
0x43: {  	v0 =	vld [tilespmem:$0x1E30];
	_ =	sdelay $0x4  }
0x44: {  	v0 =	vtrunc.f32 v0  }
0x45: {  	v0 =	vcvt.f32.s32 v0;
	_ =	sdelay $0x1  }
0x46: {  	v0 =	vsub.s32 v0, v1  }
0x47: {  	vm15 =	vlt.u32 v0, $0x500  }
0x48: {  	v0 =	vnsel vm15, $0x0, v0;
	_ =	sdelay $0x4  }
0x49: {  	[tilespmem:v0+s4+$0x0] =	vst.idx.msk vm15, v2  }
0x4a: {  	s31 =	simm.s32 $0x540;
	[tilespmem:v0+s21+$0x0] =	vst.idx.msk vm15, v3  }
0x4b: {  	s4 =	simm.s32 $0x40;
	v0 =	vld [tilespmem:s31+$0xFFFFFFC0]  }
0x4c: {  	v1 =	vld [tilespmem:s4+$0xFFFFFFC0]  }
0x4d: {  	v2 =	vld [tilespmem:s31+$0xFFFFFFD0]  }
0x4e: {  	v4 =	vld [tilespmem:s4+$0xFFFFFFD0]  }
0x4f: {  	v5 =	vld [tilespmem:s31+$0xFFFFFFE0]  }
0x50: {  	v6 =	vld [tilespmem:s4+$0xFFFFFFE0]  }
0x51: {  	v7 =	vld [tilespmem:s31+$0xFFFFFFF0];
	v1 =	vadd.f32 v1, v3;
	v0 =	vadd.f32 v0, v3  }
0x52: {  	v3 =	vld [tilespmem:s4+$0xFFFFFFF0]  }
0x53: {  	v8 =	vld [tilespmem:s31+$0x0];
	v4 =	vadd.f32 v4, v1;
	v0 =	vadd.f32 v2, v0  }
0x54: {  	v9 =	vld [tilespmem:s4+$0x0]  }
0x55: {  	v1 =	vld [tilespmem:s31+$0x10];
	v2 =	vadd.f32 v6, v4;
	v5 =	vadd.f32 v5, v0  }
0x56: {  	v4 =	vld [tilespmem:s4+$0x10]  }
0x57: {  	v0 =	vld [tilespmem:s31+$0x20];
	v6 =	vadd.f32 v3, v2;
	v5 =	vadd.f32 v7, v5  }
0x58: {  	v3 =	vld [tilespmem:s4+$0x20]  }
0x59: {  	v2 =	vld [tilespmem:s31+$0x30];
	v6 =	vadd.f32 v9, v6;
	v7 =	vadd.f32 v8, v5  }
0x5a: {  	s5 =	simm.s32 $0x0;
	s6 =	simm.s32 $0x5C0;
	v5 =	vld [tilespmem:s4+$0x30]  }
.LBB2_1:
0x5b: {  	v8 =	vld [tilespmem:s6+$0xFFFFFFC0];
	v4 =	vadd.f32 v4, v6;
	v1 =	vadd.f32 v1, v7;
	s4 =	sadd.s32 $0x80, s4  }
0x5c: {  	s5 =	sadd.s32 $0x80, s5;
	v6 =	vld [tilespmem:s4+$0xFFFFFFC0]  }
0x5d: {  	p0 =	slt.u32 s5, $0x480;
	v7 =	vld [tilespmem:s6+$0xFFFFFFD0];
	v3 =	vadd.f32 v3, v4;
	v0 =	vadd.f32 v0, v1  }
0x5e: {  	v1 =	vld [tilespmem:s4+$0xFFFFFFD0]  }
0x5f: {  	v4 =	vld [tilespmem:s6+$0xFFFFFFE0];
	v3 =	vadd.f32 v5, v3;
	v0 =	vadd.f32 v2, v0  }
0x60: {  	v2 =	vld [tilespmem:s4+$0xFFFFFFE0]  }
0x61: {  	v3 =	vadd.f32 v6, v3;
	v0 =	vadd.f32 v8, v0;
	v5 =	vld [tilespmem:s6+$0xFFFFFFF0]  }
0x62: {  	v6 =	vld [tilespmem:s4+$0xFFFFFFF0]  }
0x63: {  	v1 =	vadd.f32 v1, v3;
	v0 =	vadd.f32 v7, v0;
	v7 =	vld [tilespmem:s6+$0x0]  }
0x64: {  	v8 =	vld [tilespmem:s4+$0x0]  }
0x65: {  	v2 =	vadd.f32 v2, v1;
	v0 =	vadd.f32 v4, v0;
	v1 =	vld [tilespmem:s6+$0x10]  }
.Ltmp0:
0x66: {  	v4 =	vld [tilespmem:s4+$0x10];
	(pc) =	sbr.rel @p0 .LBB2_1-.Ltmp0, $4  }
0x67: {  	v2 =	vadd.f32 v6, v2;
	v5 =	vadd.f32 v5, v0;
	v0 =	vld [tilespmem:s6+$0x20]  }
0x68: {  	v3 =	vld [tilespmem:s4+$0x20]  }
0x69: {  	v6 =	vadd.f32 v8, v2;
	v7 =	vadd.f32 v7, v5;
	v2 =	vld [tilespmem:s6+$0x30]  }
0x6a: {  	s6 =	sadd.s32 $0x80, s6;
	v5 =	vld [tilespmem:s4+$0x30]  }
0x6b: {  	v4 =	vadd.f32 v4, v6  }
0x6c: {  	v1 =	vadd.f32 v1, v7  }
0x6d: {  	v3 =	vadd.f32 v3, v4  }
0x6e: {  	v0 =	vadd.f32 v0, v1  }
0x6f: {  	v1 =	vadd.f32 v5, v3  }
0x70: {  	v0 =	vadd.f32 v2, v0  }
0x71: {  	(xrf2) =	vadd.scan.msk.f32 $0xffff, v1  }
0x72: {  	(xrf2) =	vadd.scan.msk.f32 $0xffff, v0;
	_ =	sdelay $0x8  }
0x73: {  	v0, _, _ =	vpop (xrf2)  }
0x74: {  	v1, _, _ =	vpop (xrf2)  }
0x75: {  	v1 =	vbroadcast v1, $0xF  }
0x76: {  	vm0 =	vcmask $0x704;
	v0 =	vbroadcast v0, $0xF  }
0x77: {  	v1 =	vnsel vm0, $0x0, v1;
	vm0 =	vcmask $0x3F04  }
0x78: {  	s4 =	sshll.u32 s3, $0x7;
	v0 =	vsel vm0, v1, v0  }
0x79: {  	s5 =	simm.s32 $0x2700;
	s25 =	simm.s32 $0x2;
	s4 =	sadd.s32 s4, s2;
	[tilespmem:$0x2700] =	vst v0  }
0x7a: {  	[spmem:s4] =	stream.linear.scatter [tilespmem:s5], [sflag:$0x2], $0x80, $0x38;
	[tilespmem:$0x2800] =	vst v63  }
0x7b: {  	_ =	swait.ge [sflag:s25], $0x80  }
0x7c: {  	[sflag:s25] =	ssyncset.done $0x0  }
0x7d: {  	[sflag:s25] =	ssyncadd.s32 $0xFFFFFF80  }
0x7e: {  	s6 =	simm.s32 $0x1E80;
	[bflag:$0x0] =	sbarrier.arrive $0xFFFF  }
0x7f: {  	[tilespmem:s6], [sflag:$0x2] =	stream.linear.gather [spmem:s2], $0x800, $0x38;
	[tilespmem:$0x2800] =	vst v63  }
0x80: {  	_ =	swait.ge [sflag:s25], $0x800  }
0x81: {  	[sflag:s25] =	ssyncset.done $0x0  }
0x82: {  	[sflag:s25] =	ssyncadd.s32 $0xFFFFF800  }
0x83: {  	v0 =	vld [tilespmem:$0x1E80];
	_ =	sdelay $0x1  }
0x84: {  	v1 =	vld [tilespmem:$0x1F00];
	_ =	sdelay $0x1  }
0x85: {  	v2 =	vld [tilespmem:$0x1F80]  }
0x86: {  	v0 =	vadd.f32 $0.0e+00, v0  }
0x87: {  	v3 =	vld [tilespmem:$0x2000]  }
0x88: {  	v1 =	vadd.f32 v1, v0  }
0x89: {  	v4 =	vld [tilespmem:$0x2080]  }
0x8a: {  	v2 =	vadd.f32 v2, v1  }
0x8b: {  	v5 =	vld [tilespmem:$0x2100]  }
0x8c: {  	v3 =	vadd.f32 v3, v2  }
0x8d: {  	v6 =	vld [tilespmem:$0x2180]  }
0x8e: {  	v4 =	vadd.f32 v4, v3  }
0x8f: {  	v7 =	vld [tilespmem:$0x2200]  }
0x90: {  	v5 =	vadd.f32 v5, v4  }
0x91: {  	v8 =	vld [tilespmem:$0x2280]  }
0x92: {  	v6 =	vadd.f32 v6, v5  }
0x93: {  	v9 =	vld [tilespmem:$0x2300]  }
0x94: {  	v7 =	vadd.f32 v7, v6  }
0x95: {  	v10 =	vld [tilespmem:$0x2380]  }
0x96: {  	v8 =	vadd.f32 v8, v7  }
0x97: {  	v11 =	vld [tilespmem:$0x2400]  }
0x98: {  	p0 =	seq.s32 s3, $0x1;
	v9 =	vadd.f32 v9, v8  }
0x99: {  	p1 =	seq.s32 s3, $0x2;
	v12 =	vld [tilespmem:$0x2480];
	v0 =	vpsel !p0, $0x0, v0  }
0x9a: {  	p4 =	seq.s32 s3, $0x3;
	v0 =	vpsel p1, v1, v0;
	v10 =	vadd.f32 v10, v9  }
0x9b: {  	p5 =	seq.s32 s3, $0x4;
	v13 =	vld [tilespmem:$0x2500];
	v0 =	vpsel p4, v2, v0  }
0x9c: {  	p6 =	seq.s32 s3, $0x5;
	v0 =	vpsel p5, v3, v0;
	v1 =	vadd.f32 v11, v10  }
0x9d: {  	p2 =	seq.s32 s3, $0x6;
	v2 =	vld [tilespmem:$0x2580];
	v0 =	vpsel p6, v4, v0  }
0x9e: {  	p3 =	seq.s32 s3, $0x7;
	v0 =	vpsel p2, v5, v0;
	v3 =	vadd.f32 v12, v1  }
0x9f: {  	p4 =	seq.s32 s3, $0x8;
	v4 =	vld [tilespmem:$0x2600];
	v0 =	vpsel p3, v6, v0  }
0xa0: {  	p5 =	seq.s32 s3, $0x9;
	v0 =	vpsel p4, v7, v0;
	v5 =	vadd.f32 v13, v3  }
0xa1: {  	p6 =	seq.s32 s3, $0xA;
	v0 =	vpsel p5, v8, v0  }
0xa2: {  	p2 =	seq.s32 s3, $0xB;
	v0 =	vpsel p6, v9, v0;
	v2 =	vadd.f32 v2, v5  }
0xa3: {  	p3 =	seq.s32 s3, $0xC;
	v0 =	vpsel p2, v10, v0  }
0xa4: {  	p4 =	seq.s32 s3, $0xD;
	v0 =	vpsel p3, v1, v0;
	v4 =	vadd.f32 v4, v2  }
0xa5: {  	vm1 =	vmmov $0x1;
	p5 =	seq.s32 s3, $0xE;
	v0 =	vpsel p4, v3, v0  }
0xa6: {  	vm2 =	vcmask $0x308;
	p6 =	seq.s32 s3, $0xF;
	v0 =	vpsel p5, v5, v0;
	v1 =	vnsel vm1, $0x0, v4  }
0xa7: {  	v0 =	vpsel p6, v2, v0;
	(xrf2) =	vadd.scan.msk.f32 $0xffff, v1;
	v1 =	vsel vm2, $0x0, v4  }
0xa8: {  	s26 =	simm.s32 $0x20;
	(xrf2) =	vadd.scan.msk.f32 $0xffff, v1;
	v1 =	vnsel vm1, $0x0, v0  }
0xa9: {  	s28 =	simm.s32 $0x520;
	v9 =	vld [tilespmem:s26+$0xFFFFFFE0];
	(xrf2) =	vadd.scan.msk.f32 $0xffff, v1  }
0xaa: {  	v7 =	vld [tilespmem:s28+$0x0]  }
0xab: {  	v14 =	vld [tilespmem:s26+$0xFFFFFFF0]  }
0xac: {  	v24 =	vld [tilespmem:s26+$0x10];
	v0 =	vsel vm2, $0x0, v0  }
0xad: {  	v4 =	vld [tilespmem:s28+$0xFFFFFFE0];
	(xrf2) =	vadd.scan.msk.f32 $0xffff, v0  }
0xae: {  	v8 =	vld [tilespmem:s28+$0xFFFFFFF0];
	(xrf2) =	vadd.scan.msk.f32 $0xffff, v9  }
0xaf: {  	(xrf2) =	vadd.scan.msk.f32 $0xffff, v7  }
0xb0: {  	(xrf2) =	vadd.scan.msk.f32 $0xffff, v14  }
0xb1: {  	(xrf2) =	vadd.scan.msk.f32 $0xffff, v24;
	v0, _, _ =	vpop (xrf2)  }
0xb2: {  	(xrf2) =	vadd.scan.msk.f32 $0xffff, v4;
	(v2sf) =	vpush v0, $0xF;
	v0, _, _ =	vpop (xrf2)  }
0xb3: {  	(v2sf) =	vpush v0, $0xF;
	v0, _, _ =	vpop (xrf2);
	(xrf2) =	vadd.scan.msk.f32 $0xffff, v8;
	_ =	sdelay $0x3  }
0xb4: {  	v1, _, _ =	vpop (xrf2);
	(v2sf) =	vpush v0, $0xF  }
0xb5: {  	v27 =	vld [tilespmem:s28+$0x10];
	(v2sf) =	vpush v1, $0xF;
	v1, _, _ =	vpop (xrf2)  }
0xb6: {  	v12, _, _ =	vpop (xrf2)  }
0xb7: {  	v16, _, _ =	vpop (xrf2)  }
0xb8: {  	v6, _, _ =	vpop (xrf2)  }
0xb9: {  	v0, _, _ =	vpop (xrf2)  }
0xba: {  	v21 =	vld [tilespmem:s26+$0x0];
	v30, _, _ =	vpop (xrf2);
	(xrf2) =	vadd.scan.msk.f32 $0xffff, v27;
	_ =	sdelay $0x1  }
0xbb: {  	s29 =	simm.s32 $0x60;
	(v2sf) =	vpush v1, $0xF  }
0xbc: {  	v13 =	vld [tilespmem:s29+$0xFFFFFFE0]  }
0xbd: {  	(v2sf) =	vpush v12, $0xF  }
0xbe: {  	s13 =	simm.s32 $0x560;
	(v2sf) =	vpush v16, $0xF;
	(xrf2) =	vadd.scan.msk.f32 $0xffff, v21  }
0xbf: {  	v2 =	vld [tilespmem:s13+$0x0];
	(v2sf) =	vpush v0, $0xF;
	_ =	sdelay $0x1  }
0xc0: {  	(v2sf) =	vpush v30, $0xF;
	(xrf2) =	vadd.scan.msk.f32 $0xffff, v13  }
0xc1: {  	s12 =	simm.s32 $0x1920;
	v5 =	vld [tilespmem:s29+$0xFFFFFFF0];
	s5 =	spop (v2sf)  }
0xc2: {  	s9 =	simm.s32 $0xA00;
	v3 =	vld [tilespmem:s29+$0x10];
	p1 =	slt.f32 s5, $1.280000000e+02;
	s7 =	spop (v2sf);
	v19, _, _ =	vpop (xrf2)  }
0xc3: {  	s10 =	simm.s32 $0xF00;
	(xrf2) =	vadd.scan.msk.f32 $0xffff, v2;
	p0 =	sge.f32 s5, $1.280000000e+02;
	s11 =	spop (v2sf);
	(v2sf) =	vpush v19, $0xF  }
0xc4: {  	v15 =	vld [tilespmem:s12+$0xFFFFFFE0];
	s8 =	smin.f32 s5, $1.280000000e+02;
	s5 =	simm.s32 @!p1 $0x43000000;
	s14 =	spop (v2sf)  }
0xc5: {  	v10 =	vld [tilespmem:s13+$0xFFFFFFE0];
	s9 =	smov.u32 @p0 s10;
	s5 =	smin.f32 s5, s7;
	v17 =	vadd.f32 s14, v0  }
0xc6: {  	(xrf2) =	vadd.scan.msk.f32 $0xffff, v5;
	v18 =	vadd.f32 s11, v1;
	s7 =	simm.s32 $0x1420;
	v25 =	vld [tilespmem:s9+$0x0];
	v0 =	vmov s5  }
0xc7: {  	vm3 =	vgt.f32 v4, $0.0e+00;
	v1 =	vmov s8;
	v26 =	vld [tilespmem:s7+$0xFFFFFFE0];
	vm4 =	vle.f32 v17, v0;
	(xrf2) =	vadd.scan.msk.f32 $0xffff, v3;
	v31, _, _ =	vpop (xrf2)  }
0xc8: {  	vm3 =	vmand vm3, vm4;
	vm4 =	vle.f32 v18, v1;
	v18 =	vld [tilespmem:s13+$0xFFFFFFF0];
	(v2sf) =	vpush v31, $0xF  }
0xc9: {  	s17 =	simm.s32 $0xA10;
	s6 =	simm.s32 $0xA60;
	v20 =	vld [tilespmem:s13+$0x10];
	s30 =	spop (v2sf)  }
0xca: {  	v11 =	vld [tilespmem:s12+$0x0];
	s10 =	simm.s32 $0xA20;
	s8 =	simm.s32 $0xA30;
	s15 =	sadd.f32 s30, s11;
	v17, _, _ =	vpop (xrf2);
	(xrf2) =	vadd.scan.msk.f32 $0xffff, v10;
	(v2sf) =	vpush v6, $0xF  }
0xcb: {  	vm6 =	vgt.f32 v27, $0.0e+00;
	vm5 =	vgt.f32 v9, $0.0e+00;
	v9 =	vld [tilespmem:s29+$0x0];
	s9 =	simm.s32 $0xF20;
	s5 =	simm.s32 $0x1960;
	s19 =	spop (v2sf)  }
0xcc: {  	v27 =	vld [tilespmem:s12+$0xFFFFFFF0];
	s11 =	simm.s32 $0x40;
	s16 =	spop (v2sf);
	s13 =	simm.s32 $0xF30;
	v16 =	vadd.f32 s15, v16;
	v22 =	vnsel vm3, $0x0, v15;
	vm3 =	vmand vm5, vm4  }
0xcd: {  	v28 =	vld [tilespmem:s7+$0xFFFFFFF0];
	s16 =	sadd.f32 s16, s15;
	s15 =	simm.s32 $0xF10;
	v29 =	vnsel vm3, $0x0, v25;
	s18 =	spop (v2sf);
	v26 =	vnsel vm3, $0x0, v26;
	vm3 =	vgt.f32 v21, $0.0e+00;
	v21, _, _ =	vpop (xrf2);
	(xrf2) =	vadd.scan.msk.f32 $0xffff, v18  }
0xce: {  	v23 =	vimm.f32 $0.0e+00;
	v32 =	vimm.f32 $0.0e+00;
	v4 =	vld [tilespmem:s5+$0x0];
	vm4 =	vgt.f32 v14, $0.0e+00;
	s8 =	smov.u32 @p0 s13;
	s17 =	smov.u32 @p0 s15;
	s18 =	sadd.f32 s18, s14  }
0xcf: {  	v15 =	vld [tilespmem:s12+$0x10];
	s15 =	simm.s32 $0xA0;
	s13 =	simm.s32 $0xF20;
	vm5 =	vle.f32 v16, v1;
	v25 =	vadd.f32 s16, v31;
	v31 =	vimm.f32 $0.0e+00;
	s31 =	spop (v2sf)  }
0xd0: {  	s12 =	simm.s32 $0x1420;
	v16 =	vld [tilespmem:s7+$0x10];
	vm5 =	vmand vm4, vm5;
	vm4 =	vgt.f32 v24, $0.0e+00;
	s14 =	simm.s32 $0x5A0;
	v14, _, _ =	vpop (xrf2);
	v30 =	vadd.f32 s18, v30;
	(xrf2) =	vadd.scan.msk.f32 $0xffff, v20;
	s18 =	sadd.f32 s31, s18  }
.LBB2_3:
0xd1: {  	v33 =	vld [tilespmem:s15+$0xFFFFFFE0];
	s11 =	sadd.s32 $0x40, s11;
	(v2sf) =	vpush v17, $0xF;
	v34, _, _ =	vpop (xrf2);
	vm8 =	vgt.f32 v8, $0.0e+00;
	vm10 =	vgt.f32 v7, $0.0e+00;
	s7 =	sadd.s32 $0x40, s7;
	s9 =	sadd.s32 $0x40, s9  }
0xd2: {  	v7 =	vmovc v2;
	v8 =	vmovc v18;
	v24 =	vld [tilespmem:s15+$0x10];
	p1 =	slt.u32 s11, $0x4C0;
	(v2sf) =	vpush v21, $0xF;
	vm9 =	vle.f32 v30, v0;
	v36 =	vadd.f32 s18, v12;
	s20 =	sadd.f32 s19, s18;
	s21 =	spop (v2sf)  }
0xd3: {  	vm7 =	vgt.f32 v13, $0.0e+00;
	v18 =	vadd.f32 v22, v23;
	s19 =	sadd.s32 $0x10, s6;
	s22 =	sadd.s32 $0x10, s9;
	v30 =	vmovc v20;
	s18 =	smov.u32 s5;
	v2 =	vld [tilespmem:s14+$0x0];
	(v2sf) =	vpush v14, $0xF;
	(xrf2) =	vadd.scan.msk.f32 $0xffff, v9  }
0xd4: {  	v20 =	vadd.f32 v29, v32;
	s19 =	smov.u32 @p0 s22;
	v35 =	vld [tilespmem:s15+$0xFFFFFFF0];
	v13, _, _ =	vpop (xrf2);
	vm11 =	vle.f32 v36, v0;
	v19 =	vadd.f32 s20, v19;
	s20 =	sadd.f32 s21, s20  }
0xd5: {  	v23 =	vadd.f32 v26, v31;
	v12 =	vmovc v21;
	v22 =	vld [tilespmem:s5+$0xFFFFFFE0];
	(v2sf) =	vpush v13, $0xF;
	vm10 =	vmand vm10, vm11  }
0xd6: {  	(xrf2) =	vadd.scan.msk.f32 $0xffff, v33;
	v21 =	vadd.f32 s20, v13;
	v26 =	vld [tilespmem:s17+$0x0];
	v29 =	vnsel vm10, $0x0, v11;
	vm10 =	vle.f32 v19, v0;
	v13 =	vmovc v33  }
0xd7: {  	vm11 =	vgt.f32 v10, $0.0e+00;
	s5 =	sadd.s32 $0x40, s5;
	v19 =	vnsel vm5, $0x0, v28;
	v10 =	vld [tilespmem:s14+$0xFFFFFFE0];
	v33, _, _ =	vpop (xrf2);
	vm6 =	vmand vm6, vm10;
	s17 =	spop (v2sf)  }
0xd8: {  	s10 =	smov.u32 @p0 s13;
	s13 =	smov.u32 s9;
	v11 =	vmovc v4;
	vm10 =	vle.f32 v21, v0;
	(v2sf) =	vpush v33, $0xF;
	v21 =	vadd.f32 v19, v23;
	s16 =	sadd.f32 s17, s16;
	v4 =	vld [tilespmem:s5+$0x0]  }
0xd9: {  	vm8 =	vmand vm8, vm9;
	vm9 =	vle.f32 v25, v1;
	s21 =	sadd.s32 $0xFFFFFFE0, s9;
	s17 =	sadd.s32 $0xFFFFFFE0, s6;
	(xrf2) =	vadd.scan.msk.f32 $0xffff, v2;
	vm10 =	vmand vm11, vm10;
	v23 =	vld [tilespmem:s10+$0x0];
	s10 =	spop (v2sf)  }
0xda: {  	v25 =	vnsel vm8, $0x0, v27;
	s17 =	smov.u32 @p0 s21;
	v22 =	vnsel vm10, $0x0, v22;
	v19, _, _ =	vpop (xrf2);
	v27 =	vld [tilespmem:s12+$0x0];
	v28 =	vadd.f32 s16, v6;
	s16 =	sadd.f32 s10, s16;
	s12 =	smov.u32 s7  }
0xdb: {  	v18 =	vadd.f32 v25, v18;
	v6 =	vmovc v34;
	s10 =	smov.u32 s6;
	v31 =	vld [tilespmem:s17+$0x0];
	(v2sf) =	vpush v19, $0xF;
	v26 =	vnsel vm5, $0x0, v26  }
0xdc: {  	(xrf2) =	vadd.scan.msk.f32 $0xffff, v35;
	v25 =	vld [tilespmem:s7+$0xFFFFFFE0];
	v17 =	vadd.f32 s16, v17;
	v20 =	vadd.f32 v26, v20;
	vm5 =	vle.f32 v28, v1  }
0xdd: {  	vm3 =	vmand vm3, vm9;
	v18 =	vadd.f32 v29, v18;
	v34, _, _ =	vpop (xrf2);
	vm4 =	vmand vm4, vm5;
	v28 =	vld [tilespmem:s8+$0x0];
	s8 =	smov.u32 s19  }
0xde: {  	v15 =	vnsel vm6, $0x0, v15;
	vm5 =	vle.f32 v17, v1;
	v32 =	vnsel vm3, $0x0, v23  }
0xdf: {  	v23 =	vadd.f32 v15, v18;
	(xrf2) =	vadd.scan.msk.f32 $0xffff, v24;
	vm5 =	vmand vm7, vm5;
	v26 =	vnsel vm3, $0x0, v27  }
0xe0: {  	s17 =	sadd.s32 $0xFFFFFFF0, s6;
	s19 =	sadd.s32 $0xFFFFFFF0, s9;
	v18 =	vld [tilespmem:s14+$0xFFFFFFF0];
	v17, _, _ =	vpop (xrf2);
	v29 =	vnsel vm5, $0x0, v31;
	s21 =	spop (v2sf);
	(v2sf) =	vpush v34, $0xF;
	v15 =	vadd.f32 v26, v21  }
0xe1: {  	s17 =	smov.u32 @p0 s19;
	v16 =	vnsel vm4, $0x0, v16;
	v26 =	vnsel vm5, $0x0, v25;
	s19 =	spop (v2sf);
	v25 =	vadd.f32 v32, v20  }
0xe2: {  	(xrf2) =	vadd.scan.msk.f32 $0xffff, v10;
	s22 =	spop (v2sf);
	(v2sf) =	vpush v6, $0xF;
	v27 =	vnsel vm4, $0x0, v28;
	v31 =	vadd.f32 v16, v15  }
0xe3: {  	s16 =	sadd.f32 s21, s16;
	v20 =	vld [tilespmem:s14+$0x10];
	v21, _, _ =	vpop (xrf2);
	v32 =	vadd.f32 v27, v25  }
.Ltmp1:
0xe4: {  	v15 =	vld [tilespmem:s18+$0x10];
	s21 =	spop (v2sf);
	(pc) =	sbr.rel @p1 .LBB2_3-.Ltmp1, $4  }
0xe5: {  	vm4 =	vgt.f32 v5, $0.0e+00;
	v5 =	vmovc v35;
	v16 =	vadd.f32 s16, v14;
	s16 =	sadd.f32 s22, s16;
	(xrf2) =	vadd.scan.msk.f32 $0xffff, v18;
	v28 =	vld [tilespmem:s7+$0xFFFFFFF0]  }
0xe6: {  	vm3 =	vgt.f32 v9, $0.0e+00;
	s20 =	sadd.f32 s21, s20;
	v14, _, _ =	vpop (xrf2);
	v9 =	vld [tilespmem:s15+$0x0]  }
0xe7: {  	vm6 =	vgt.f32 v30, $0.0e+00;
	s6 =	sadd.s32 $0x40, s6;
	vm5 =	vle.f32 v16, v1;
	v25 =	vadd.f32 s16, v34;
	v16 =	vld [tilespmem:s7+$0x10];
	s21 =	spop (v2sf)  }
0xe8: {  	s14 =	sadd.s32 $0x40, s14;
	s15 =	sadd.s32 $0x40, s15;
	vm5 =	vmand vm4, vm5;
	vm4 =	vgt.f32 v3, $0.0e+00;
	v3 =	vmovc v24;
	v30 =	vadd.f32 s20, v33;
	(xrf2) =	vadd.scan.msk.f32 $0xffff, v20;
	v27 =	vld [tilespmem:s18+$0xFFFFFFF0];
	s18 =	sadd.f32 s21, s20  }
0xe9: {  	_ =	sdelay $0x1  }
0xea: {  	(xrf2) =	vadd.scan.msk.f32 $0xffff, v9;
	_ =	sdelay $0x1  }
0xeb: {  	(v2sf) =	vpush v17, $0xF  }
0xec: {  	v22 =	vadd.f32 v22, v23;
	v29 =	vadd.f32 v29, v32  }
0xed: {  	v24, _, _ =	vpop (xrf2);
	vm8 =	vgt.f32 v8, $0.0e+00;
	vm9 =	vgt.f32 v7, $0.0e+00;
	(v2sf) =	vpush v21, $0xF  }
0xee: {  	vm7 =	vgt.f32 v13, $0.0e+00;
	v63 =	vadd.f32 v26, v31;
	s14 =	sadd.f32 s19, s18;
	(v2sf) =	vpush v14, $0xF;
	v33, _, _ =	vpop (xrf2)  }
0xef: {  	vm13 =	vgt.f32 v10, $0.0e+00;
	vm15 =	vle.f32 v25, v1;
	v37 =	vld [tilespmem:s12+$0x0];
	s11 =	spop (v2sf);
	(v2sf) =	vpush v33, $0xF  }
0xf0: {  	s10 =	smov.u32 @p0 s13;
	v12 =	vadd.f32 s18, v12;
	vm10 =	vle.f32 v30, v0;
	v30 =	vld [tilespmem:s17+$0x0];
	v32 =	vnsel vm5, $0x0, v28;
	s11 =	sadd.f32 s11, s14;
	v61, _, _ =	vpop (xrf2)  }
0xf1: {  	v35 =	vld [tilespmem:s10+$0x0];
	vm3 =	vmand vm3, vm15;
	v7 =	vadd.f32 v32, v63;
	(v2sf) =	vpush v61, $0xF  }
0xf2: {  	vm8 =	vmand vm8, vm10;
	vm11 =	vle.f32 v12, v0;
	v26 =	vadd.f32 s11, v33;
	v33, _, _ =	vpop (xrf2)  }
0xf3: {  	v62 =	vadd.f32 s14, v19;
	vm9 =	vmand vm9, vm11;
	s18 =	spop (v2sf);
	(v2sf) =	vpush v33, $0xF;
	v34, _, _ =	vpop (xrf2)  }
0xf4: {  	v36 =	vnsel vm8, $0x0, v27;
	v11 =	vnsel vm9, $0x0, v11;
	s20 =	spop (v2sf);
	(v2sf) =	vpush v34, $0xF  }
0xf5: {  	v31 =	vld [tilespmem:s5+$0xFFFFFFE0];
	vm12 =	vle.f32 v62, v0;
	v22 =	vadd.f32 v36, v22;
	v43 =	vnsel vm3, $0x0, v37  }
0xf6: {  	vm6 =	vmand vm6, vm12;
	v13 =	vnsel vm5, $0x0, v30;
	v8 =	vnsel vm3, $0x0, v35;
	s19 =	sadd.f32 s18, s16  }
0xf7: {  	s9 =	sadd.s32 $0x40, s9;
	v7 =	vadd.f32 v43, v7;
	vm12 =	vgt.f32 v5, $0.0e+00;
	vm3 =	vgt.f32 v9, $0.0e+00  }
0xf8: {  	v42 =	vld [tilespmem:s8+$0x0];
	s15 =	sadd.s32 $0xFFFFFFE0, s9;
	s14 =	sadd.s32 $0xFFFFFFE0, s6;
	vm14 =	vle.f32 v26, v0;
	v13 =	vadd.f32 v13, v29;
	s10 =	sadd.f32 s20, s19;
	v6 =	vadd.f32 s19, v6  }
0xf9: {  	s14 =	smov.u32 @p0 s15;
	v41 =	vadd.f32 v11, v22;
	v15 =	vnsel vm6, $0x0, v15;
	vm9 =	vmand vm13, vm14  }
0xfa: {  	s7 =	sadd.s32 $0x40, s7;
	v38 =	vld [tilespmem:s14+$0x0];
	v19 =	vnsel vm9, $0x0, v31;
	v40 =	vadd.f32 s10, v17;
	vm9 =	vle.f32 v6, v1  }
0xfb: {  	s13 =	sadd.s32 $0xFFFFFFF0, s6;
	v39 =	vld [tilespmem:s7+$0xFFFFFFE0];
	vm14 =	vgt.f32 v2, $0.0e+00;
	v6 =	vadd.f32 v15, v41;
	vm4 =	vmand vm4, vm9;
	s21 =	spop (v2sf)  }
0xfc: {  	s14 =	sadd.s32 $0xFFFFFFF0, s9;
	v8 =	vadd.f32 v8, v13;
	vm11 =	vle.f32 v40, v1;
	v46 =	vnsel vm4, $0x0, v16;
	s22 =	spop (v2sf);
	s10 =	sadd.f32 s21, s10  }
0xfd: {  	v48 =	vld [tilespmem:s7+$0xFFFFFFF0];
	s13 =	smov.u32 @p0 s14;
	v11 =	vnsel vm4, $0x0, v42;
	vm4 =	vgt.f32 v20, $0.0e+00;
	v6 =	vadd.f32 v19, v6;
	s23 =	spop (v2sf)  }
0xfe: {  	v2 =	vld [tilespmem:s13+$0x0];
	vm5 =	vmand vm7, vm11;
	v7 =	vadd.f32 v46, v7;
	v47 =	vadd.f32 s10, v14;
	s24 =	spop (v2sf)  }
0xff: {  	v8 =	vadd.f32 v11, v8;
	vm7 =	vgt.f32 v18, $0.0e+00;
	v44 =	vnsel vm5, $0x0, v38;
	s11 =	sadd.f32 s24, s11  }
0x100: {  	v45 =	vnsel vm5, $0x0, v39;
	vm5 =	vgt.f32 v3, $0.0e+00;
	v3 =	vld [tilespmem:s5+$0xFFFFFFF0];
	s10 =	sadd.f32 s23, s10;
	vm13 =	vle.f32 v47, v1;
	s25 =	spop (v2sf)  }
0x101: {  	v7 =	vadd.f32 v45, v7;
	vm6 =	vmand vm12, vm13;
	v50 =	vadd.f32 s11, v61;
	s12 =	sadd.f32 s25, s11  }
0x102: {  	v8 =	vadd.f32 v44, v8;
	v49 =	vadd.f32 s10, v34;
	v5 =	vnsel vm6, $0x0, v48;
	s11 =	sadd.s32 $0x10, s6;
	s6 =	smov.u32 @p0 s9;
	s26 =	spop (v2sf)  }
0x103: {  	v2 =	vnsel vm6, $0x0, v2;
	s9 =	sadd.s32 $0x10, s9;
	vm15 =	vle.f32 v50, v0;
	v52 =	vld [tilespmem:s6+$0x0];
	v51 =	vadd.f32 s12, v21;
	s8 =	sadd.f32 s22, s12;
	s28 =	spop (v2sf)  }
0x104: {  	v53 =	vld [tilespmem:s7+$0x0];
	v5 =	vadd.f32 v5, v7;
	v2 =	vadd.f32 v2, v8;
	s11 =	smov.u32 @p0 s9;
	vm7 =	vmand vm7, vm15;
	s29 =	sadd.f32 s28, s10  }
0x105: {  	v54 =	vld [tilespmem:s11+$0x0];
	v3 =	vnsel vm7, $0x0, v3;
	vm12 =	vle.f32 v51, v0;
	v10 =	vadd.f32 s8, v33  }
0x106: {  	v55 =	vld [tilespmem:s7+$0x10];
	vm8 =	vmand vm14, vm12;
	vm14 =	vle.f32 v49, v1;
	v56 =	vadd.f32 s29, v24  }
0x107: {  	v57 =	vld [tilespmem:s5+$0x10];
	v3 =	vadd.f32 v3, v6;
	v4 =	vnsel vm8, $0x0, v4;
	vm3 =	vmand vm3, vm14  }
0x108: {  	vm13 =	vle.f32 v10, v0;
	v58 =	vnsel vm3, $0x0, v52;
	vm15 =	vle.f32 v56, v1  }
0x109: {  	v59 =	vnsel vm3, $0x0, v53;
	v2 =	vadd.f32 v58, v2;
	vm5 =	vmand vm5, vm15  }
0x10a: {  	vm3 =	vmand vm4, vm13;
	v5 =	vadd.f32 v59, v5;
	v60 =	vnsel vm5, $0x0, v54  }
0x10b: {  	v3 =	vadd.f32 v4, v3;
	v61 =	vnsel vm5, $0x0, v55;
	v2 =	vadd.f32 v60, v2  }
0x10c: {  	v62 =	vnsel vm3, $0x0, v57;
	v4 =	vadd.f32 v61, v5  }
0x10d: {  	v3 =	vadd.f32 v62, v3;
	(xrf2) =	vadd.scan.msk.f32 $0xffff, v2  }
0x10e: {  	(xrf2) =	vadd.scan.msk.f32 $0xffff, v4  }
0x10f: {  	(xrf2) =	vadd.scan.msk.f32 $0xffff, v3;
	_ =	sdelay $0x2  }
0x110: {  	(v2sf) =	vpush v24, $0xF;
	_ =	sdelay $0x4  }
0x111: {  	v2, _, _ =	vpop (xrf2)  }
0x112: {  	v3, _, _ =	vpop (xrf2)  }
0x113: {  	v63, _, _ =	vpop (xrf2)  }
0x114: {  	v4 =	vbroadcast v63, $0xF  }
0x115: {  	vm3 =	vcmask $0xB08;
	v3 =	vbroadcast v3, $0xF  }
0x116: {  	v2 =	vbroadcast v2, $0xF;
	v4 =	vnsel vm3, $0x0, v4;
	vm3 =	vcmask $0x3F08  }
0x117: {  	v3 =	vsel vm3, v4, v3  }
0x118: {  	v2 =	vsel vm0, v3, v2  }
0x119: {  	s30 =	simm.s32 $0x2700;
	[tilespmem:$0x2700] =	vst v2  }
0x11a: {  	[spmem:s4] =	stream.linear.scatter [tilespmem:s30], [sflag:$0x2], $0x80, $0x38;
	[tilespmem:$0x2800] =	vst v63  }
0x11b: {  	s31 =	spop (v2sf);
	s4 =	simm.s32 $0x2  }
0x11c: {  	_ =	swait.ge [sflag:s4], $0x80  }
0x11d: {  	[sflag:s4] =	ssyncset.done $0x0  }
0x11e: {  	[sflag:s4] =	ssyncadd.s32 $0xFFFFFF80  }
0x11f: {  	p0 =	sne.s32 s3, $0x0;
	[bflag:$0x0] =	sbarrier.arrive $0xFFFF  }
0x120: {  	_ =	sfence.sel @p0 $0x180000  }
0x121: {  	[bflag:$0x0] =	sbarrier.arrive @p0 $0xFFFF  }
0x122: {  	_ =	strace @p0 $0x90000047  }
0x123: {  	[bflag:$0x2] =	sbarrier.arrive @p0 $0xFFFF  }
0x124: {  	_ =	shalt @p0  }
.LBB2_5:
0x125: {  	s3 =	simm.s32 $0x1E80  }
0x126: {  	[tilespmem:s3], [sflag:$0x2] =	stream.linear.gather [spmem:s2], $0x800, $0x38;
	[tilespmem:$0x2800] =	vst v63  }
0x127: {  	_ =	swait.ge [sflag:s4], $0x800  }
0x128: {  	[sflag:s4] =	ssyncset.done $0x0  }
0x129: {  	[sflag:s4] =	ssyncadd.s32 $0xFFFFF800  }
0x12a: {  	v2 =	vld [tilespmem:$0x1E80];
	_ =	sdelay $0x1  }
0x12b: {  	v3 =	vld [tilespmem:$0x1F00];
	_ =	sdelay $0x1  }
0x12c: {  	v4 =	vld [tilespmem:$0x1F80]  }
0x12d: {  	v2 =	vadd.f32 $0.0e+00, v2  }
0x12e: {  	v5 =	vld [tilespmem:$0x2000]  }
0x12f: {  	v2 =	vadd.f32 v3, v2  }
0x130: {  	v45 =	vld [tilespmem:$0x2080]  }
0x131: {  	v2 =	vadd.f32 v4, v2  }
0x132: {  	v46 =	vld [tilespmem:$0x2100]  }
0x133: {  	v2 =	vadd.f32 v5, v2  }
0x134: {  	v47 =	vld [tilespmem:$0x2180]  }
0x135: {  	v2 =	vadd.f32 v45, v2  }
0x136: {  	v48 =	vld [tilespmem:$0x2200]  }
0x137: {  	v2 =	vadd.f32 v46, v2  }
0x138: {  	v49 =	vld [tilespmem:$0x2280]  }
0x139: {  	v2 =	vadd.f32 v47, v2  }
0x13a: {  	v50 =	vld [tilespmem:$0x2300]  }
0x13b: {  	v2 =	vadd.f32 v48, v2  }
0x13c: {  	v51 =	vld [tilespmem:$0x2380]  }
0x13d: {  	v2 =	vadd.f32 v49, v2  }
0x13e: {  	v52 =	vld [tilespmem:$0x2400]  }
0x13f: {  	v2 =	vadd.f32 v50, v2  }
0x140: {  	v53 =	vld [tilespmem:$0x2480]  }
0x141: {  	v2 =	vadd.f32 v51, v2  }
0x142: {  	v54 =	vld [tilespmem:$0x2500]  }
0x143: {  	v2 =	vadd.f32 v52, v2  }
0x144: {  	v55 =	vld [tilespmem:$0x2580]  }
0x145: {  	v2 =	vadd.f32 v53, v2  }
0x146: {  	v56 =	vld [tilespmem:$0x2600]  }
0x147: {  	v2 =	vadd.f32 v54, v2;
	_ =	sdelay $0x1  }
0x148: {  	v2 =	vadd.f32 v55, v2;
	_ =	sdelay $0x1  }
0x149: {  	v2 =	vadd.f32 v56, v2;
	_ =	sdelay $0x1  }
0x14a: {  	v57 =	vnsel vm1, $0x0, v2  }
0x14b: {  	v58 =	vsel vm2, $0x0, v2;
	(xrf2) =	vadd.scan.msk.f32 $0xffff, v57  }
0x14c: {  	vm0 =	vcmask $0x70C;
	(xrf2) =	vadd.scan.msk.f32 $0xffff, v58  }
0x14d: {  	v2 =	vsel vm0, $0x0, v2  }
0x14e: {  	(xrf2) =	vadd.scan.msk.f32 $0xffff, v2;
	_ =	sdelay $0x1  }
0x14f: {  	(erf) = vrcp.f32 v1  }
0x150: {  	(erf) = vrcp.f32 v0;
	_ =	sdelay $0x3  }
0x151: {  	v59, _, _ =	vpop (xrf2)  }
0x152: {  	v60, _, _ =	vpop (xrf2)  }
0x153: {  	v0 =	vsub.f32 v60, v59  }
0x154: {  	v61, _, _ =	vpop (xrf2)  }
0x155: {  	v62 =	vpop (erf);
	v1 =	vbroadcast v61, $0xF;
	v0 =	vbroadcast v0, $0xF  }
0x156: {  	v63 =	vpop (erf)  }
0x157: {  	v1 =	vmul.f32 v1, v63;
	v0 =	vmul.f32 v0, v62;
	_ =	sdelay $0x1  }
0x158: {  	v0 =	vsub.f32 v0, v1;
	_ =	sdelay $0x1  }
0x159: {  	s30 =	simm.s32 $0x0;
	s31 =	simm.s32 $0x2680;
	[tilespmem:$0x2680] =	vst v0  }
0x15a: {  	[hbm4b:s1+s30] =	stream.linear.scatter [tilespmem:s31], [sflag:$0x2], $0x80, $0x38;
	[tilespmem:$0x2800] =	vst v63  }
0x15b: {  	_ =	swait.ge [sflag:s4], $0x80  }
0x15c: {  	[sflag:s4] =	ssyncset.done $0x0  }
0x15d: {  	[sflag:s4] =	ssyncadd.s32 $0xFFFFFF80  }
0x15e: {  	_ =	sfence.sel $0x180000  }
0x15f: {  	[bflag:$0x0] =	sbarrier.arrive $0xFFFF  }
0x160: {  	_ =	strace $0x90000047  }
0x161: {  	s0 =	sadd.s32 $0x100000, s0;
	[bflag:$0x2] =	sbarrier.arrive $0xFFFF  }
0x162: {  	[sflag:s0] =	ssyncadd.tile.s32 $0x1;
	_ =	shalt  }
.Lfunc_end2:
_tile_overlayer_lowered:
.L_overlay_start_2:
0x163: {  	(tag) =	ssettag $0x2  }
0x164: {  	s0 =	rddreg [dreg:$0x0];
	s2 =	stileid.u32  }
0x165: {  	s1 =	rddreg [dreg:$0x1];
	p0 =	sne.s32 s2, $0x0  }
0x166: {  	s3 =	rddreg [dreg:$0x2];
	[bflag:$0x3] =	sbarrier.arrive $0xFFFF;
	s2 =	simm.s32 @!p0 $0x1C02  }
0x167: {  	[timem:s3], [sflag:s2] =	dma.local @!p0 [hbm:s0], s1  }
0x168: {  	s0 =	simm.s32 @!p0 $0x2  }
0x169: {  	_ =	swait.ge @!p0 [sflag:s0], s1  }
0x16a: {  	s1 =	ssub.s32 @!p0 $0x0, s1;
	[sflag:s0] =	ssyncset.done @!p0 $0x0  }
0x16b: {  	[sflag:s0] =	ssyncadd.s32 @!p0 s1  }
0x16c: {  	[bflag:$0x3] =	sbarrier.arrive $0xFFFF  }
0x16d: {  	_ =	shalt  }

</sc_bundles>
